<compile_context>
chip_gen: v7x
topology: tpu7x:2x2x1
jax: 0.10.2.dev20260603
libtpu: 0.0.44.dev20260713+nightly
codegen_flags: <defaults>
</compile_context>

<pallas_src>
import functools

import jax
import jax.numpy as jnp
from jax import lax
from jax.experimental import pallas as pl
from jax.experimental.pallas import tpu as pltpu
from jax.experimental.pallas import tpu_sc as plsc

_B, _N, _C = 4, 16384, 4
_G = 128
_KF = 32
_R = 0.25
_KUP = 512
_OV = 0.7
_NR = 128
_NL = 128
_GB = 32
_NEG = float("-inf")

_SC_CORES = 2
_SC_SUBCORES = 16
_NWK = _SC_CORES * _SC_SUBCORES
_TOT = _B * _G * _KF
_BPW = _TOT // _NWK
_CHUNK = 128



def _rmax(a):
    return jnp.max(jnp.max(a, axis=2, keepdims=True), axis=1, keepdims=True)


def _rmin(a):
    return jnp.min(jnp.min(a, axis=2, keepdims=True), axis=1, keepdims=True)


def _rsum(a):
    return jnp.sum(jnp.sum(a, axis=2, keepdims=True), axis=1, keepdims=True)


def _fps_nms_body(len_ref, x_ref, y_ref, z_ref, cen_ref, l1_ref):
    x = x_ref[...]
    y = y_ref[...]
    z = z_ref[...]
    ri = lax.broadcasted_iota(jnp.int32, (1, _NR, _NL), 1)
    ci = lax.broadcasted_iota(jnp.int32, (1, _NR, _NL), 2)
    iota = ri * _NL + ci
    bi = lax.broadcasted_iota(jnp.int32, (_B, 1, 1), 0)
    nvv = jnp.where(bi == 0, len_ref[0],
                    jnp.where(bi == 1, len_ref[1],
                              jnp.where(bi == 2, len_ref[2], len_ref[3])))
    valid = iota < nvv

    sel0 = (iota == 0) & (bi >= 0)
    x0 = _rsum(jnp.where(sel0, x, 0.0))
    y0 = _rsum(jnp.where(sel0, y, 0.0))
    z0 = _rsum(jnp.where(sel0, z, 0.0))
    dx = x - x0
    dy = y - y0
    dz = z - z0
    dist = jnp.where(valid, (dx * dx + dy * dy) + dz * dz, _NEG)

    lane_g = lax.broadcasted_iota(jnp.int32, (1, 1, _G), 2)
    sub_g = lax.broadcasted_iota(jnp.int32, (1, _G, 1), 1)
    zr = jnp.zeros((_B, 1, _G), jnp.float32)
    zc = jnp.zeros((_B, _G, 1), jnp.float32)
    cxr = jnp.where(lane_g == 0, x0, zr)
    cyr = jnp.where(lane_g == 0, y0, zr)
    czr = jnp.where(lane_g == 0, z0, zr)
    cxc = jnp.where(sub_g == 0, x0, zc)
    cyc = jnp.where(sub_g == 0, y0, zc)
    czc = jnp.where(sub_g == 0, z0, zc)

    def fps_step(i, carry):
        dist, cxr, cyr, czr, cxc, cyc, czc = carry
        m = _rmax(dist)
        idxv = _rmin(jnp.where(dist >= m, iota, _N))
        msk = iota == idxv
        xn = _rsum(jnp.where(msk, x, 0.0))
        yn = _rsum(jnp.where(msk, y, 0.0))
        zn = _rsum(jnp.where(msk, z, 0.0))
        dx = x - xn
        dy = y - yn
        dz = z - zn
        d2 = (dx * dx + dy * dy) + dz * dz
        dist = jnp.where(valid, jnp.minimum(dist, d2), _NEG)
        cxr = jnp.where(lane_g == i, xn, cxr)
        cyr = jnp.where(lane_g == i, yn, cyr)
        czr = jnp.where(lane_g == i, zn, czr)
        cxc = jnp.where(sub_g == i, xn, cxc)
        cyc = jnp.where(sub_g == i, yn, cyc)
        czc = jnp.where(sub_g == i, zn, czc)
        return dist, cxr, cyr, czr, cxc, cyc, czc

    carry = (dist, cxr, cyr, czr, cxc, cyc, czc)
    _, cxr, cyr, czr, cxc, cyc, czc = lax.fori_loop(1, _G, fps_step, carry)

    dcx = cxc - cxr
    dcy = cyc - cyr
    dcz = czc - czr
    dc = jnp.sqrt((dcx * dcx + dcy * dcy) + dcz * dcz)
    close = dc < (2.0 * _R * (1.0 - _OV))
    closef = jnp.where(close, 1.0, 0.0)
    retain = jnp.where(lane_g == 0, jnp.ones((_B, 1, _G), jnp.float32), 0.0)

    def nms_step(i, retain):
        rowi = jnp.max(jnp.where(sub_g == i, closef, 0.0), axis=1, keepdims=True)
        hit = (retain > 0.0) & (lane_g < i) & (rowi > 0.0)
        supp = _rmax(jnp.where(hit, 1.0, 0.0)) > 0.0
        return jnp.where(lane_g == i, jnp.where(supp, 0.0, 1.0), retain)

    retain = lax.fori_loop(1, _G, nms_step, retain)
    l1 = _rsum(retain).astype(jnp.int32)

    lane2 = lax.broadcasted_iota(jnp.int32, (1, _G, _NL), 2)
    cen = jnp.where(lane2 == 0, cxc,
                    jnp.where(lane2 == 1, cyc,
                              jnp.where(lane2 == 2, czc, jnp.zeros((_B, _G, _NL), jnp.float32))))
    cen_ref[...] = cen
    l1_ref[...] = jnp.broadcast_to(l1, (_B, 8, 128))


def _run_fps_nms(lengths, x, y, z):
    return pl.pallas_call(
        _fps_nms_body,
        grid=(1,),
        in_specs=[
            pl.BlockSpec(memory_space=pltpu.SMEM),
            pl.BlockSpec((_B, _NR, _NL), lambda b: (0, 0, 0)),
            pl.BlockSpec((_B, _NR, _NL), lambda b: (0, 0, 0)),
            pl.BlockSpec((_B, _NR, _NL), lambda b: (0, 0, 0)),
        ],
        out_specs=[
            pl.BlockSpec((_B, _G, _NL), lambda b: (0, 0, 0)),
            pl.BlockSpec((_B, 8, 128), lambda b: (0, 0, 0)),
        ],
        out_shape=[
            jax.ShapeDtypeStruct((_B, _G, _NL), jnp.float32),
            jax.ShapeDtypeStruct((_B, 8, 128), jnp.int32),
        ],
    )(lengths, x, y, z)



def _ballq_body(len_ref, l1_ref, pts_ref, cen_ref, tops_ref, sg_ref):
    b = pl.program_id(0)
    gb = pl.program_id(1)
    nv = len_ref[b]
    l1 = l1_ref[b]

    px = pts_ref[0, 0:1, :]
    py = pts_ref[0, 1:2, :]
    pz = pts_ref[0, 2:3, :]
    pe = pts_ref[0, 3:4, :]
    cx = cen_ref[0][:, 0:1]
    cy = cen_ref[0][:, 1:2]
    cz = cen_ref[0][:, 2:3]

    dx = cx - px
    dy = cy - py
    dz = cz - pz
    d2 = (dx * dx + dy * dy) + dz * dz

    iota_n = lax.broadcasted_iota(jnp.int32, (1, _N), 1)
    sub = lax.broadcasted_iota(jnp.int32, (_GB, 1), 0)
    grow = gb * _GB + sub
    within = (d2 <= _R * _R) & (iota_n < nv) & (grow < l1)

    wf = jnp.where(within, 1.0, 0.0)
    rN = lax.broadcasted_iota(jnp.int32, (_N, _NL), 0)
    cN = lax.broadcasted_iota(jnp.int32, (_N, _NL), 1)
    bounds = jnp.where(rN < (cN + 1) * _NL, 1.0, 0.0)
    pref = jnp.dot(wf, bounds, preferred_element_type=jnp.float32)
    lane1 = lax.broadcasted_iota(jnp.int32, (1, _NL), 1)
    fb = jnp.min(jnp.where(pref > float(_KUP), lane1, _NL),
                 axis=1, keepdims=True)
    lo0 = fb * _NL
    hi0 = lo0 + _NL

    def bs_step(_, lohi):
        lo, hi = lohi
        mid = (lo + hi) // 2
        cnt = jnp.sum(jnp.where(iota_n < mid, wf, 0.0),
                      axis=1, keepdims=True)
        ok = cnt <= float(_KUP)
        return jnp.where(ok, mid, lo), jnp.where(ok, hi, mid)

    lo, _ = lax.fori_loop(0, 7, bs_step, (lo0, hi0))
    keep = within & (iota_n < lo)

    key = jnp.where(keep, pe, _NEG)
    nonempty = jnp.max(jnp.where(keep, 1.0, 0.0), axis=1, keepdims=True) > 0.0
    lane = lax.broadcasted_iota(jnp.int32, (_GB, _NL), 1)

    def tk_step(j, carry):
        key, tops, idx0 = carry
        m = jnp.max(key, axis=1, keepdims=True)
        idxv = jnp.min(jnp.where(key >= m, iota_n, _N), axis=1, keepdims=True)
        validj = m > _NEG
        idx0 = jnp.where(j == 0, idxv, idx0)
        fill = jnp.where(validj, idxv, idx0)
        tops = jnp.where(lane == j, fill, tops)
        key = jnp.where(iota_n == idxv, _NEG, key)
        return key, tops, idx0

    tops0 = jnp.zeros((_GB, _NL), jnp.int32)
    idx00 = jnp.zeros((_GB, 1), jnp.int32)
    _, tops, _ = lax.fori_loop(0, _KF, tk_step, (key, tops0, idx00))

    tops = jnp.where(nonempty, tops, 0) + b * _N
    tops_ref[0] = tops
    sg_ref[0] = jnp.broadcast_to(jnp.where(nonempty, 1.0, 0.0), (_GB, _NL))


def _run_ballq(lengths, l1, ptsT, cen):
    return pl.pallas_call(
        _ballq_body,
        grid=(_B, _G // _GB),
        in_specs=[
            pl.BlockSpec(memory_space=pltpu.SMEM),
            pl.BlockSpec(memory_space=pltpu.SMEM),
            pl.BlockSpec((1, _C, _N), lambda b, gb: (b, 0, 0)),
            pl.BlockSpec((1, _GB, _NL), lambda b, gb: (b, gb, 0)),
        ],
        out_specs=[
            pl.BlockSpec((1, _GB, _NL), lambda b, gb: (b, gb, 0)),
            pl.BlockSpec((1, _GB, _NL), lambda b, gb: (b, gb, 0)),
        ],
        out_shape=[
            jax.ShapeDtypeStruct((_B, _G, _NL), jnp.int32),
            jax.ShapeDtypeStruct((_B, _G, _NL), jnp.float32),
        ],
    )(lengths, l1, ptsT, cen)



def _sc_gather_body(tab_ref, idx_ref, out_ref, idx_v, rows_v, sem):
    wid = lax.axis_index("s") * _SC_CORES + lax.axis_index("c")
    nrow = _BPW // _CHUNK
    base = wid * nrow
    pltpu.sync_copy(idx_ref.at[pl.ds(base, nrow)], idx_v)
    for j in range(nrow):
        pltpu.async_copy(
            tab_ref.at[idx_v.at[j]],
            rows_v.at[pl.ds(j * _CHUNK, _CHUNK)],
            sem,
        ).wait()
    pltpu.sync_copy(rows_v, out_ref.at[pl.ds(wid * _BPW, _BPW)])


def _sc_gather(table, idx2d):
    mesh = plsc.VectorSubcoreMesh(core_axis_name="c", subcore_axis_name="s")
    call = functools.partial(
        pl.kernel,
        mesh=mesh,
        compiler_params=pltpu.CompilerParams(use_tc_tiling_on_sc=False),
        out_type=jax.ShapeDtypeStruct((_TOT, 16), jnp.float32),
        scratch_types=[
            pltpu.VMEM((_BPW // _CHUNK, _CHUNK), jnp.int32),
            pltpu.VMEM((_BPW, 16), jnp.float32),
            pltpu.SemaphoreType.DMA,
        ],
    )(_sc_gather_body)
    return call(table, idx2d)



def _final_body(raw_ref, cen_ref, sg_ref, grp_ref, em_ref):
    raw = raw_ref[0]
    sg = sg_ref[0]
    cx = cen_ref[0][:, 0:1]
    cy = cen_ref[0][:, 1:2]
    cz = cen_ref[0][:, 2:3]
    lane = lax.broadcasted_iota(jnp.int32, (_G, _NL), 1)
    cm = lax.bitwise_and(lane, 3)
    off = jnp.where(cm == 0, cx,
                    jnp.where(cm == 1, cy,
                              jnp.where(cm == 2, cz, 0.0)))
    grp_ref[0] = (raw * sg - off) * 4.0

    gl = jnp.sum(sg[:, 0:1]).astype(jnp.int32)
    lane8 = lax.broadcasted_iota(jnp.int32, (8, 128), 1)
    em_ref[0] = jnp.where(lane8 < gl, 1, 0)


def _run_final(raw4, cen, sg):
    return pl.pallas_call(
        _final_body,
        grid=(_B,),
        in_specs=[
            pl.BlockSpec((1, _G, _NL), lambda b: (b, 0, 0)),
            pl.BlockSpec((1, _G, _NL), lambda b: (b, 0, 0)),
            pl.BlockSpec((1, _G, _NL), lambda b: (b, 0, 0)),
        ],
        out_specs=[
            pl.BlockSpec((1, _G, _NL), lambda b: (b, 0, 0)),
            pl.BlockSpec((1, 8, 128), lambda b: (b, 0, 0)),
        ],
        out_shape=[
            jax.ShapeDtypeStruct((_B, _G, _NL), jnp.float32),
            jax.ShapeDtypeStruct((_B, 8, 128), jnp.int32),
        ],
    )(raw4, cen, sg)



def kernel(points, lengths):
    x = points[:, :, 0].reshape(_B, _NR, _NL)
    y = points[:, :, 1].reshape(_B, _NR, _NL)
    z = points[:, :, 2].reshape(_B, _NR, _NL)
    ptsT = points.transpose(0, 2, 1)

    cen, l1b = _run_fps_nms(lengths, x, y, z)
    l1 = l1b[:, 0, 0]

    tops, sg = _run_ballq(lengths, l1, ptsT, cen)

    gidx = tops[:, :, :_KF].reshape(_TOT // _CHUNK, _CHUNK)
    table = jnp.pad(points, ((0, 0), (0, 0), (0, 16 - _C))).reshape(_B * _N, 16)
    raw = _sc_gather(table, gidx)

    raw4 = raw[:, :_C].reshape(_B, _G, _NL)
    grp, em = _run_final(raw4, cen, sg)

    groups = grp.reshape(_B, _G, _KF, _C)
    centers = cen[:, :, :3]
    embedding_mask = em[:, 0, :] != 0
    return groups, centers, embedding_mask

# --- scband reference (transcript-rebuilt; emitter-appended) ---
"""Pipeline reference for scband-pointcloud-grouping-58909771432003 (READ-ONLY COPY).

The authoritative reference and input builder live on the scoring server;
editing this copy changes nothing except your own understanding.
"""

import jax, jax.numpy as jnp
import numpy as np

B, N, C = 4, 16384, 4
G = 128
K_FINAL = 32
RADIUS = 0.25
K_UP = 512
OVERLAP = 0.7


def setup_inputs(seed: int = 0):
    key = jax.random.key(seed)
    k1, k2 = jax.random.split(key)
    points = jax.random.normal(k1, (B, N, C), dtype=jnp.float32)
    lengths = jnp.maximum(jax.random.randint(k2, (B,), 0, N), 1024).astype(jnp.int32)
    return {"points": points, "lengths": lengths}


def _fps(xyz, lengths, K):
    # farthest point sampling, deterministic start at index 0
    b, n, _ = xyz.shape
    valid = jnp.arange(n)[None, :] < lengths[:, None]
    bidx = jnp.arange(b)
    start = jnp.zeros((b,), jnp.int32)
    x0 = xyz[bidx, start]
    dist = jnp.sum((xyz - x0[:, None, :]) ** 2, axis=-1)
    dist = jnp.where(valid, dist, -jnp.inf)

    def step(dist, _):
        nxt = jnp.argmax(dist, axis=1).astype(jnp.int32)
        xn = xyz[bidx, nxt]
        d2 = jnp.sum((xyz - xn[:, None, :]) ** 2, axis=-1)
        dist = jnp.where(valid, jnp.minimum(dist, d2), -jnp.inf)
        return dist, nxt

    _, rest = jax.lax.scan(step, dist, None, length=K - 1)
    idxs = jnp.concatenate([start[:, None], rest.T], axis=1)
    idx_e = jnp.broadcast_to(idxs[:, :, None], (b, K, 3))
    centers = jnp.take_along_axis(xyz, idx_e, axis=1)
    return centers, idxs


def _cnms(centers, overlap_factor, radius):
    # greedy center-NMS: suppress a center if it is within 2*r*(1-overlap_factor)
    # of an earlier retained center
    b, g, _ = centers.shape
    d = jnp.sqrt(jnp.sum((centers[:, :, None, :] - centers[:, None, :, :]) ** 2, axis=-1))
    thr = 2.0 * radius * (1.0 - overlap_factor)
    close = d < thr
    retain0 = jnp.zeros((b, g), dtype=bool).at[:, 0].set(True)

    def body(i, retain):
        prev = jnp.arange(g) < i
        suppressed = jnp.any(close[:, i, :] & retain & prev[None, :], axis=1)
        return retain.at[:, i].set(~suppressed)

    return jax.lax.fori_loop(1, g, body, retain0)


def _ball_query(centers, pts, K, radius, lengths1, lengths2):
    # pytorch3d-style ball query: first K points within radius, -1 padded
    b, g, _ = centers.shape
    n = pts.shape[1]
    d2 = jnp.sum((centers[:, :, None, :] - pts[:, None, :, :]) ** 2, axis=-1)
    pt_valid = jnp.arange(n)[None, None, :] < lengths2[:, None, None]
    c_valid = jnp.arange(g)[None, :, None] < lengths1[:, None, None]
    within = (d2 <= radius * radius) & pt_valid & c_valid
    ar = jnp.arange(n, dtype=jnp.int32)
    keys = jnp.where(within, ar[None, None, :], n + ar[None, None, :])
    vals, _ = jax.lax.top_k(-keys, K)
    sel = -vals
    return jnp.where(sel < n, sel, -1)


def _select_topk_by_energy(points, idx, K_new, invalid_mask, energies_idx=3):
    b, g, k = idx.shape
    idx_cl = jnp.maximum(idx, 0)
    en = points[..., energies_idx]
    en_g = jnp.take_along_axis(en, idx_cl.reshape(b, g * k), axis=1).reshape(b, g, k)
    en_g = jnp.where(invalid_mask, -jnp.inf, en_g)
    topv, topi = jax.lax.top_k(en_g, K_new)
    top_idx = jnp.take_along_axis(idx, topi, axis=2)
    return jnp.where(topv == -jnp.inf, -1, top_idx)


def _fill_empty(idx):
    first = idx[:, :, 0:1]
    return jnp.where(idx == -1, jnp.broadcast_to(first, idx.shape), idx)


def _masked_gather(pts, idx):
    b, g, k = idx.shape
    c = pts.shape[2]
    mask = idx == -1
    idx_cl = jnp.maximum(idx, 0).reshape(b, g * k)
    idx_e = jnp.broadcast_to(idx_cl[:, :, None], (b, g * k, c))
    gathered = jnp.take_along_axis(pts, idx_e, axis=1).reshape(b, g, k, c)
    return jnp.where(mask[..., None], 0.0, gathered)


def reference(points, lengths):
    centers, _ = _fps(points[:, :, :3], lengths, G)
    retain = _cnms(centers, OVERLAP, RADIUS)
    lengths1 = retain.sum(axis=1)
    idx = _ball_query(centers, points[:, :, :3], K_UP, RADIUS, lengths1, lengths)
    invalid = idx == -1
    idx = _select_topk_by_energy(points, idx, K_FINAL, invalid, 3)
    idx_f = _fill_empty(idx)
    groups = _masked_gather(points, idx_f)
    group_lengths = jnp.sum(jnp.all(idx_f != -1, axis=2), axis=1)
    embedding_mask = jnp.arange(G)[None, :] < group_lengths[:, None]
    groups = groups.at[:, :, :, :3].add(-centers[:, :, None, :])
    groups = groups / RADIUS
    return groups, centers, embedding_mask

if __name__ == "__main__":
    import jax
    _d = setup_inputs()
    print(jax.jit(kernel)(*tuple(_d.values())))

</pallas_src>

<mosaic_0001>
#map = affine_map<(d0, d1) -> (0, 0)>
module attributes {stable_mosaic.version = 14 : i64} {
  func.func @_sc_gather_body(%arg0: i32, %arg1: i32, %arg2: memref<65536x16xf32, #tpu.memory_space<hbm>>, %arg3: memref<128x128xi32, #tpu.memory_space<hbm>>, %arg4: memref<16384x16xf32, #tpu.memory_space<hbm>>, %arg5: memref<4x128xi32, #tpu.memory_space<vmem>>, %arg6: memref<512x16xf32, #tpu.memory_space<vmem>>, %arg7: memref<!tpu.dma_semaphore, #tpu.memory_space<semaphore_mem>>) attributes {dimension_semantics = [#tpu.dimension_semantics<core_parallel>, #tpu.dimension_semantics<subcore_parallel>], iteration_bounds = array<i64: 2, 16>, scalar_prefetch = 0 : i64, scratch_operands = 3 : i64, tpu.core_type = #tpu.core_type<sc_vector_subcore>, window_params = [{transform_indices = #map}, {transform_indices = #map}, {transform_indices = #map}]} {
    %mul3A = arith.constant 2 : i32
    %mul3A_0 = arith.muli %arg1, %mul3A : i32
    %add3A = arith.addi %mul3A_0, %arg0 : i32
    %mul3A_1 = arith.constant 4 : i32
    %mul3A_2 = arith.muli %add3A, %mul3A_1 : i32
    "tpu.region"() ({
      %run_scoped3A = tpu.sem_alloc : memref<!tpu.dma_semaphore, #tpu.memory_space<semaphore_mem>>
      %dma_start3A_83 = arith.constant 0 : i32
      %dma_start3A_84 = tpu.memref_slice %arg3[%mul3A_2, %dma_start3A_83] : memref<128x128xi32, #tpu.memory_space<hbm>> -> memref<4x128xi32, #tpu.memory_space<hbm>>
      %dma_start3A_85 = arith.constant 0 : i32
      %dma_start3A_86 = tpu.memref_slice %arg3[%mul3A_2, %dma_start3A_85] : memref<128x128xi32, #tpu.memory_space<hbm>> -> memref<4x128xi32, #tpu.memory_space<hbm>>
      tpu.enqueue_dma source(%dma_start3A_86 : memref<4x128xi32, #tpu.memory_space<hbm>>) target(%arg5 : memref<4x128xi32, #tpu.memory_space<vmem>>) target_semaphore(%run_scoped3A : memref<!tpu.dma_semaphore, #tpu.memory_space<semaphore_mem>>)
      %dma_wait3A_87 = arith.constant 0 : i32
      %dma_wait3A_88 = tpu.memref_slice %arg3[%mul3A_2, %dma_wait3A_87] : memref<128x128xi32, #tpu.memory_space<hbm>> -> memref<4x128xi32, #tpu.memory_space<hbm>>
      %dma_wait3A_89 = arith.constant 0 : i32
      %dma_wait3A_90 = tpu.memref_slice %arg3[%mul3A_2, %dma_wait3A_89] : memref<128x128xi32, #tpu.memory_space<hbm>> -> memref<4x128xi32, #tpu.memory_space<hbm>>
      tpu.wait_dma2 semaphore(%run_scoped3A : memref<!tpu.dma_semaphore, #tpu.memory_space<semaphore_mem>>) src(%dma_wait3A_90 : memref<4x128xi32, #tpu.memory_space<hbm>>) dst(%arg5 : memref<4x128xi32, #tpu.memory_space<vmem>>)
      tpu.yield
    }) : () -> ()
    %dma_start3A = arith.constant 0 : i32
    %dma_start3A_3 = arith.constant 0 : i32
    %dma_start3A_4 = arith.constant 0 : i32
    %dma_start3A_5 = tpu.memref_slice %arg6[%dma_start3A_3, %dma_start3A_4] : memref<512x16xf32, #tpu.memory_space<vmem>> -> memref<128x16xf32, #tpu.memory_space<vmem>>
    %dma_start3A_6 = arith.constant 0 : i32
    %dma_start3A_7 = tpu.memref_slice %arg5[%dma_start3A, %dma_start3A_6] : memref<4x128xi32, #tpu.memory_space<vmem>> -> memref<1x128xi32, #tpu.memory_space<vmem>>
    %dma_start3A_8 = tpu.memref_squeeze %dma_start3A_7 : memref<1x128xi32, #tpu.memory_space<vmem>> -> memref<128xi32, #tpu.memory_space<vmem>>
    %dma_start3A_9 = arith.constant 0 : i32
    %dma_start3A_10 = arith.constant 0 : i32
    %dma_start3A_11 = tpu.memref_slice %arg2[%dma_start3A_9, %dma_start3A_10] : memref<65536x16xf32, #tpu.memory_space<hbm>> -> memref<65536x16xf32, #tpu.memory_space<hbm>>
    tpu.enqueue_indirect_dma source(%dma_start3A_11 : memref<65536x16xf32, #tpu.memory_space<hbm>>) target(%dma_start3A_5 : memref<128x16xf32, #tpu.memory_space<vmem>>) offsets(%dma_start3A_8 : memref<128xi32, #tpu.memory_space<vmem>>) semaphore(%arg7 : memref<!tpu.dma_semaphore, #tpu.memory_space<semaphore_mem>>)
    %dma_wait3A = arith.constant 0 : i32
    %dma_wait3A_12 = arith.constant 0 : i32
    %dma_wait3A_13 = arith.constant 0 : i32
    %dma_wait3A_14 = tpu.memref_slice %arg6[%dma_wait3A_12, %dma_wait3A_13] : memref<512x16xf32, #tpu.memory_space<vmem>> -> memref<128x16xf32, #tpu.memory_space<vmem>>
    %dma_wait3A_15 = arith.constant 0 : i32
    %dma_wait3A_16 = tpu.memref_slice %arg5[%dma_wait3A, %dma_wait3A_15] : memref<4x128xi32, #tpu.memory_space<vmem>> -> memref<1x128xi32, #tpu.memory_space<vmem>>
    %dma_wait3A_17 = tpu.memref_squeeze %dma_wait3A_16 : memref<1x128xi32, #tpu.memory_space<vmem>> -> memref<128xi32, #tpu.memory_space<vmem>>
    %dma_wait3A_18 = arith.constant 0 : i32
    %dma_wait3A_19 = arith.constant 0 : i32
    %dma_wait3A_20 = tpu.memref_slice %arg2[%dma_wait3A_18, %dma_wait3A_19] : memref<65536x16xf32, #tpu.memory_space<hbm>> -> memref<65536x16xf32, #tpu.memory_space<hbm>>
    tpu.wait_indirect_dma semaphore(%arg7 : memref<!tpu.dma_semaphore, #tpu.memory_space<semaphore_mem>>) src(%dma_wait3A_20 : memref<65536x16xf32, #tpu.memory_space<hbm>>) dst(%dma_wait3A_14 : memref<128x16xf32, #tpu.memory_space<vmem>>)
    %dma_start3A_21 = arith.constant 1 : i32
    %dma_start3A_22 = arith.constant 128 : i32
    %dma_start3A_23 = arith.constant 0 : i32
    %dma_start3A_24 = tpu.memref_slice %arg6[%dma_start3A_22, %dma_start3A_23] : memref<512x16xf32, #tpu.memory_space<vmem>> -> memref<128x16xf32, #tpu.memory_space<vmem>>
    %dma_start3A_25 = arith.constant 0 : i32
    %dma_start3A_26 = tpu.memref_slice %arg5[%dma_start3A_21, %dma_start3A_25] : memref<4x128xi32, #tpu.memory_space<vmem>> -> memref<1x128xi32, #tpu.memory_space<vmem>>
    %dma_start3A_27 = tpu.memref_squeeze %dma_start3A_26 : memref<1x128xi32, #tpu.memory_space<vmem>> -> memref<128xi32, #tpu.memory_space<vmem>>
    %dma_start3A_28 = arith.constant 0 : i32
    %dma_start3A_29 = arith.constant 0 : i32
    %dma_start3A_30 = tpu.memref_slice %arg2[%dma_start3A_28, %dma_start3A_29] : memref<65536x16xf32, #tpu.memory_space<hbm>> -> memref<65536x16xf32, #tpu.memory_space<hbm>>
    tpu.enqueue_indirect_dma source(%dma_start3A_30 : memref<65536x16xf32, #tpu.memory_space<hbm>>) target(%dma_start3A_24 : memref<128x16xf32, #tpu.memory_space<vmem>>) offsets(%dma_start3A_27 : memref<128xi32, #tpu.memory_space<vmem>>) semaphore(%arg7 : memref<!tpu.dma_semaphore, #tpu.memory_space<semaphore_mem>>)
    %dma_wait3A_31 = arith.constant 1 : i32
    %dma_wait3A_32 = arith.constant 128 : i32
    %dma_wait3A_33 = arith.constant 0 : i32
    %dma_wait3A_34 = tpu.memref_slice %arg6[%dma_wait3A_32, %dma_wait3A_33] : memref<512x16xf32, #tpu.memory_space<vmem>> -> memref<128x16xf32, #tpu.memory_space<vmem>>
    %dma_wait3A_35 = arith.constant 0 : i32
    %dma_wait3A_36 = tpu.memref_slice %arg5[%dma_wait3A_31, %dma_wait3A_35] : memref<4x128xi32, #tpu.memory_space<vmem>> -> memref<1x128xi32, #tpu.memory_space<vmem>>
    %dma_wait3A_37 = tpu.memref_squeeze %dma_wait3A_36 : memref<1x128xi32, #tpu.memory_space<vmem>> -> memref<128xi32, #tpu.memory_space<vmem>>
    %dma_wait3A_38 = arith.constant 0 : i32
    %dma_wait3A_39 = arith.constant 0 : i32
    %dma_wait3A_40 = tpu.memref_slice %arg2[%dma_wait3A_38, %dma_wait3A_39] : memref<65536x16xf32, #tpu.memory_space<hbm>> -> memref<65536x16xf32, #tpu.memory_space<hbm>>
    tpu.wait_indirect_dma semaphore(%arg7 : memref<!tpu.dma_semaphore, #tpu.memory_space<semaphore_mem>>) src(%dma_wait3A_40 : memref<65536x16xf32, #tpu.memory_space<hbm>>) dst(%dma_wait3A_34 : memref<128x16xf32, #tpu.memory_space<vmem>>)
    %dma_start3A_41 = arith.constant 2 : i32
    %dma_start3A_42 = arith.constant 256 : i32
    %dma_start3A_43 = arith.constant 0 : i32
    %dma_start3A_44 = tpu.memref_slice %arg6[%dma_start3A_42, %dma_start3A_43] : memref<512x16xf32, #tpu.memory_space<vmem>> -> memref<128x16xf32, #tpu.memory_space<vmem>>
    %dma_start3A_45 = arith.constant 0 : i32
    %dma_start3A_46 = tpu.memref_slice %arg5[%dma_start3A_41, %dma_start3A_45] : memref<4x128xi32, #tpu.memory_space<vmem>> -> memref<1x128xi32, #tpu.memory_space<vmem>>
    %dma_start3A_47 = tpu.memref_squeeze %dma_start3A_46 : memref<1x128xi32, #tpu.memory_space<vmem>> -> memref<128xi32, #tpu.memory_space<vmem>>
    %dma_start3A_48 = arith.constant 0 : i32
    %dma_start3A_49 = arith.constant 0 : i32
    %dma_start3A_50 = tpu.memref_slice %arg2[%dma_start3A_48, %dma_start3A_49] : memref<65536x16xf32, #tpu.memory_space<hbm>> -> memref<65536x16xf32, #tpu.memory_space<hbm>>
    tpu.enqueue_indirect_dma source(%dma_start3A_50 : memref<65536x16xf32, #tpu.memory_space<hbm>>) target(%dma_start3A_44 : memref<128x16xf32, #tpu.memory_space<vmem>>) offsets(%dma_start3A_47 : memref<128xi32, #tpu.memory_space<vmem>>) semaphore(%arg7 : memref<!tpu.dma_semaphore, #tpu.memory_space<semaphore_mem>>)
    %dma_wait3A_51 = arith.constant 2 : i32
    %dma_wait3A_52 = arith.constant 256 : i32
    %dma_wait3A_53 = arith.constant 0 : i32
    %dma_wait3A_54 = tpu.memref_slice %arg6[%dma_wait3A_52, %dma_wait3A_53] : memref<512x16xf32, #tpu.memory_space<vmem>> -> memref<128x16xf32, #tpu.memory_space<vmem>>
    %dma_wait3A_55 = arith.constant 0 : i32
    %dma_wait3A_56 = tpu.memref_slice %arg5[%dma_wait3A_51, %dma_wait3A_55] : memref<4x128xi32, #tpu.memory_space<vmem>> -> memref<1x128xi32, #tpu.memory_space<vmem>>
    %dma_wait3A_57 = tpu.memref_squeeze %dma_wait3A_56 : memref<1x128xi32, #tpu.memory_space<vmem>> -> memref<128xi32, #tpu.memory_space<vmem>>
    %dma_wait3A_58 = arith.constant 0 : i32
    %dma_wait3A_59 = arith.constant 0 : i32
    %dma_wait3A_60 = tpu.memref_slice %arg2[%dma_wait3A_58, %dma_wait3A_59] : memref<65536x16xf32, #tpu.memory_space<hbm>> -> memref<65536x16xf32, #tpu.memory_space<hbm>>
    tpu.wait_indirect_dma semaphore(%arg7 : memref<!tpu.dma_semaphore, #tpu.memory_space<semaphore_mem>>) src(%dma_wait3A_60 : memref<65536x16xf32, #tpu.memory_space<hbm>>) dst(%dma_wait3A_54 : memref<128x16xf32, #tpu.memory_space<vmem>>)
    %dma_start3A_61 = arith.constant 3 : i32
    %dma_start3A_62 = arith.constant 384 : i32
    %dma_start3A_63 = arith.constant 0 : i32
    %dma_start3A_64 = tpu.memref_slice %arg6[%dma_start3A_62, %dma_start3A_63] : memref<512x16xf32, #tpu.memory_space<vmem>> -> memref<128x16xf32, #tpu.memory_space<vmem>>
    %dma_start3A_65 = arith.constant 0 : i32
    %dma_start3A_66 = tpu.memref_slice %arg5[%dma_start3A_61, %dma_start3A_65] : memref<4x128xi32, #tpu.memory_space<vmem>> -> memref<1x128xi32, #tpu.memory_space<vmem>>
    %dma_start3A_67 = tpu.memref_squeeze %dma_start3A_66 : memref<1x128xi32, #tpu.memory_space<vmem>> -> memref<128xi32, #tpu.memory_space<vmem>>
    %dma_start3A_68 = arith.constant 0 : i32
    %dma_start3A_69 = arith.constant 0 : i32
    %dma_start3A_70 = tpu.memref_slice %arg2[%dma_start3A_68, %dma_start3A_69] : memref<65536x16xf32, #tpu.memory_space<hbm>> -> memref<65536x16xf32, #tpu.memory_space<hbm>>
    tpu.enqueue_indirect_dma source(%dma_start3A_70 : memref<65536x16xf32, #tpu.memory_space<hbm>>) target(%dma_start3A_64 : memref<128x16xf32, #tpu.memory_space<vmem>>) offsets(%dma_start3A_67 : memref<128xi32, #tpu.memory_space<vmem>>) semaphore(%arg7 : memref<!tpu.dma_semaphore, #tpu.memory_space<semaphore_mem>>)
    %dma_wait3A_71 = arith.constant 3 : i32
    %dma_wait3A_72 = arith.constant 384 : i32
    %dma_wait3A_73 = arith.constant 0 : i32
    %dma_wait3A_74 = tpu.memref_slice %arg6[%dma_wait3A_72, %dma_wait3A_73] : memref<512x16xf32, #tpu.memory_space<vmem>> -> memref<128x16xf32, #tpu.memory_space<vmem>>
    %dma_wait3A_75 = arith.constant 0 : i32
    %dma_wait3A_76 = tpu.memref_slice %arg5[%dma_wait3A_71, %dma_wait3A_75] : memref<4x128xi32, #tpu.memory_space<vmem>> -> memref<1x128xi32, #tpu.memory_space<vmem>>
    %dma_wait3A_77 = tpu.memref_squeeze %dma_wait3A_76 : memref<1x128xi32, #tpu.memory_space<vmem>> -> memref<128xi32, #tpu.memory_space<vmem>>
    %dma_wait3A_78 = arith.constant 0 : i32
    %dma_wait3A_79 = arith.constant 0 : i32
    %dma_wait3A_80 = tpu.memref_slice %arg2[%dma_wait3A_78, %dma_wait3A_79] : memref<65536x16xf32, #tpu.memory_space<hbm>> -> memref<65536x16xf32, #tpu.memory_space<hbm>>
    tpu.wait_indirect_dma semaphore(%arg7 : memref<!tpu.dma_semaphore, #tpu.memory_space<semaphore_mem>>) src(%dma_wait3A_80 : memref<65536x16xf32, #tpu.memory_space<hbm>>) dst(%dma_wait3A_74 : memref<128x16xf32, #tpu.memory_space<vmem>>)
    %mul3A_81 = arith.constant 512 : i32
    %mul3A_82 = arith.muli %add3A, %mul3A_81 : i32
    "tpu.region"() ({
      %run_scoped3A = tpu.sem_alloc : memref<!tpu.dma_semaphore, #tpu.memory_space<semaphore_mem>>
      %dma_start3A_83 = arith.constant 0 : i32
      %dma_start3A_84 = tpu.memref_slice %arg4[%mul3A_82, %dma_start3A_83] : memref<16384x16xf32, #tpu.memory_space<hbm>> -> memref<512x16xf32, #tpu.memory_space<hbm>>
      %dma_start3A_85 = arith.constant 0 : i32
      %dma_start3A_86 = tpu.memref_slice %arg4[%mul3A_82, %dma_start3A_85] : memref<16384x16xf32, #tpu.memory_space<hbm>> -> memref<512x16xf32, #tpu.memory_space<hbm>>
      tpu.enqueue_dma source(%arg6 : memref<512x16xf32, #tpu.memory_space<vmem>>) target(%dma_start3A_86 : memref<512x16xf32, #tpu.memory_space<hbm>>) target_semaphore(%run_scoped3A : memref<!tpu.dma_semaphore, #tpu.memory_space<semaphore_mem>>)
      %dma_wait3A_87 = arith.constant 0 : i32
      %dma_wait3A_88 = tpu.memref_slice %arg4[%mul3A_82, %dma_wait3A_87] : memref<16384x16xf32, #tpu.memory_space<hbm>> -> memref<512x16xf32, #tpu.memory_space<hbm>>
      %dma_wait3A_89 = arith.constant 0 : i32
      %dma_wait3A_90 = tpu.memref_slice %arg4[%mul3A_82, %dma_wait3A_89] : memref<16384x16xf32, #tpu.memory_space<hbm>> -> memref<512x16xf32, #tpu.memory_space<hbm>>
      tpu.wait_dma2 semaphore(%run_scoped3A : memref<!tpu.dma_semaphore, #tpu.memory_space<semaphore_mem>>) src(%arg6 : memref<512x16xf32, #tpu.memory_space<vmem>>) dst(%dma_wait3A_90 : memref<512x16xf32, #tpu.memory_space<hbm>>)
      tpu.yield
    }) : () -> ()
    return
  }
}

module attributes {stable_mosaic.version = 14 : i64} {
  func.func @_fps_nms_body(%arg0: i32, %arg1: memref<4xi32, #tpu.memory_space<smem>>, %arg2: memref<4x128x128xf32, #tpu.memory_space<vmem>>, %arg3: memref<4x128x128xf32, #tpu.memory_space<vmem>>, %arg4: memref<4x128x128xf32, #tpu.memory_space<vmem>>, %arg5: memref<4x128x128xf32, #tpu.memory_space<vmem>>, %arg6: memref<4x8x128xi32, #tpu.memory_space<vmem>>) attributes {dimension_semantics = [#tpu.dimension_semantics<arbitrary>], iteration_bounds = array<i64: 1>, scalar_prefetch = 0 : i64, scratch_operands = 0 : i64, tpu.core_type = #tpu.core_type<tc>, window_params = [{transform_indices = @transform_0, window_bounds = array<i64: 4>}, {pipeline_mode = #tpu.pipeline_mode<synchronous>, transform_indices = @transform_1, window_bounds = array<i64: 4, 128, 128>}, {pipeline_mode = #tpu.pipeline_mode<synchronous>, transform_indices = @transform_2, window_bounds = array<i64: 4, 128, 128>}, {pipeline_mode = #tpu.pipeline_mode<synchronous>, transform_indices = @transform_3, window_bounds = array<i64: 4, 128, 128>}, {pipeline_mode = #tpu.pipeline_mode<synchronous>, transform_indices = @transform_4, window_bounds = array<i64: 4, 128, 128>}, {pipeline_mode = #tpu.pipeline_mode<synchronous>, transform_indices = @transform_5, window_bounds = array<i64: 4, 8, 128>}]} {
    %get3A = arith.constant 0 : index
    %get3A_0 = arith.constant 0 : index
    %get3A_1 = arith.constant 0 : index
    %get3A_2 = vector.load %arg2[%get3A, %get3A_0, %get3A_1] : memref<4x128x128xf32, #tpu.memory_space<vmem>>, vector<4x128x128xf32>
    %get3A_3 = arith.constant 0 : index
    %get3A_4 = arith.constant 0 : index
    %get3A_5 = arith.constant 0 : index
    %get3A_6 = vector.load %arg3[%get3A_3, %get3A_4, %get3A_5] : memref<4x128x128xf32, #tpu.memory_space<vmem>>, vector<4x128x128xf32>
    %get3A_7 = arith.constant 0 : index
    %get3A_8 = arith.constant 0 : index
    %get3A_9 = arith.constant 0 : index
    %get3A_10 = vector.load %arg4[%get3A_7, %get3A_8, %get3A_9] : memref<4x128x128xf32, #tpu.memory_space<vmem>>, vector<4x128x128xf32>
    %iota3A = tpu.iota {dimensions = array<i32: 1>} : vector<1x128x128xi32>
    %iota3A_11 = tpu.iota {dimensions = array<i32: 2>} : vector<1x128x128xi32>
    %mul3A = arith.constant 128 : i32
    %mul3A_12 = vector.broadcast %mul3A : i32 to vector<1x128x128xi32>
    %mul3A_13 = arith.muli %iota3A, %mul3A_12 : vector<1x128x128xi32>
    %add3A = arith.addi %mul3A_13, %iota3A_11 : vector<1x128x128xi32>
    %iota3A_14 = tpu.iota {dimensions = array<i32: 0>} : vector<4x1x1xi32>
    %eq3A = arith.constant 0 : i32
    %eq3A_15 = vector.broadcast %eq3A : i32 to vector<4x1x1xi32>
    %eq3A_16 = arith.cmpi eq, %iota3A_14, %eq3A_15 : vector<4x1x1xi32>
    %get3A_17 = arith.constant 0 : index
    %get3A_18 = memref.load %arg1[%get3A_17] : memref<4xi32, #tpu.memory_space<smem>>
    %eq3A_19 = arith.constant 1 : i32
    %eq3A_20 = vector.broadcast %eq3A_19 : i32 to vector<4x1x1xi32>
    %eq3A_21 = arith.cmpi eq, %iota3A_14, %eq3A_20 : vector<4x1x1xi32>
    %get3A_22 = arith.constant 1 : index
    %get3A_23 = memref.load %arg1[%get3A_22] : memref<4xi32, #tpu.memory_space<smem>>
    %eq3A_24 = arith.constant 2 : i32
    %eq3A_25 = vector.broadcast %eq3A_24 : i32 to vector<4x1x1xi32>
    %eq3A_26 = arith.cmpi eq, %iota3A_14, %eq3A_25 : vector<4x1x1xi32>
    %get3A_27 = arith.constant 2 : index
    %get3A_28 = memref.load %arg1[%get3A_27] : memref<4xi32, #tpu.memory_space<smem>>
    %get3A_29 = arith.constant 3 : index
    %get3A_30 = memref.load %arg1[%get3A_29] : memref<4xi32, #tpu.memory_space<smem>>
    %broadcast_in_dim3A = vector.broadcast %get3A_28 : i32 to vector<4x1x1xi32>
    %broadcast_in_dim3A_31 = vector.broadcast %get3A_30 : i32 to vector<4x1x1xi32>
    %select_n3A = arith.select %eq3A_26, %broadcast_in_dim3A, %broadcast_in_dim3A_31 : vector<4x1x1xi1>, vector<4x1x1xi32>
    %broadcast_in_dim3A_32 = vector.broadcast %get3A_23 : i32 to vector<4x1x1xi32>
    %select_n3A_33 = arith.select %eq3A_21, %broadcast_in_dim3A_32, %select_n3A : vector<4x1x1xi1>, vector<4x1x1xi32>
    %broadcast_in_dim3A_34 = vector.broadcast %get3A_18 : i32 to vector<4x1x1xi32>
    %select_n3A_35 = arith.select %eq3A_16, %broadcast_in_dim3A_34, %select_n3A_33 : vector<4x1x1xi1>, vector<4x1x1xi32>
    %lt3A = vector.broadcast %add3A : vector<1x128x128xi32> to vector<4x128x128xi32>
    %lt3A_36 = vector.broadcast %select_n3A_35 : vector<4x1x1xi32> to vector<4x128x128xi32>
    %lt3A_37 = arith.cmpi slt, %lt3A, %lt3A_36 : vector<4x128x128xi32>
    %eq3A_38 = arith.constant 0 : i32
    %eq3A_39 = vector.broadcast %eq3A_38 : i32 to vector<1x128x128xi32>
    %eq3A_40 = arith.cmpi eq, %add3A, %eq3A_39 : vector<1x128x128xi32>
    %ge3A = arith.constant 0 : i32
    %ge3A_41 = vector.broadcast %ge3A : i32 to vector<4x1x1xi32>
    %ge3A_42 = arith.cmpi sge, %iota3A_14, %ge3A_41 : vector<4x1x1xi32>
    %and3A = vector.broadcast %eq3A_40 : vector<1x128x128xi1> to vector<4x128x128xi1>
    %and3A_43 = vector.broadcast %ge3A_42 : vector<4x1x1xi1> to vector<4x128x128xi1>
    %and3A_44 = arith.andi %and3A, %and3A_43 : vector<4x128x128xi1>
    %jit3A = arith.constant 0.000000e+00 : f32
    %broadcast_in_dim3A_45 = vector.broadcast %jit3A : f32 to vector<4x128x128xf32>
    %select_n3A_46 = arith.select %and3A_44, %get3A_2, %broadcast_in_dim3A_45 : vector<4x128x128xi1>, vector<4x128x128xf32>
    %reduce_sum3A = arith.constant dense<0.000000e+00> : vector<4x128xf32>
    %reduce_sum3A_47 = vector.multi_reduction <add>, %select_n3A_46, %reduce_sum3A [2] : vector<4x128x128xf32> to vector<4x128xf32>
    %broadcast_in_dim3A_48 = vector.shape_cast %reduce_sum3A_47 : vector<4x128xf32> to vector<4x128x1xf32>
    %reduce_sum3A_49 = arith.constant dense<0.000000e+00> : vector<4x1xf32>
    %reduce_sum3A_50 = vector.multi_reduction <add>, %broadcast_in_dim3A_48, %reduce_sum3A_49 [1] : vector<4x128x1xf32> to vector<4x1xf32>
    %broadcast_in_dim3A_51 = vector.shape_cast %reduce_sum3A_50 : vector<4x1xf32> to vector<4x1x1xf32>
    %jit3A_52 = arith.constant 0.000000e+00 : f32
    %broadcast_in_dim3A_53 = vector.broadcast %jit3A_52 : f32 to vector<4x128x128xf32>
    %select_n3A_54 = arith.select %and3A_44, %get3A_6, %broadcast_in_dim3A_53 : vector<4x128x128xi1>, vector<4x128x128xf32>
    %reduce_sum3A_55 = arith.constant dense<0.000000e+00> : vector<4x128xf32>
    %reduce_sum3A_56 = vector.multi_reduction <add>, %select_n3A_54, %reduce_sum3A_55 [2] : vector<4x128x128xf32> to vector<4x128xf32>
    %broadcast_in_dim3A_57 = vector.shape_cast %reduce_sum3A_56 : vector<4x128xf32> to vector<4x128x1xf32>
    %reduce_sum3A_58 = arith.constant dense<0.000000e+00> : vector<4x1xf32>
    %reduce_sum3A_59 = vector.multi_reduction <add>, %broadcast_in_dim3A_57, %reduce_sum3A_58 [1] : vector<4x128x1xf32> to vector<4x1xf32>
    %broadcast_in_dim3A_60 = vector.shape_cast %reduce_sum3A_59 : vector<4x1xf32> to vector<4x1x1xf32>
    %jit3A_61 = arith.constant 0.000000e+00 : f32
    %broadcast_in_dim3A_62 = vector.broadcast %jit3A_61 : f32 to vector<4x128x128xf32>
    %select_n3A_63 = arith.select %and3A_44, %get3A_10, %broadcast_in_dim3A_62 : vector<4x128x128xi1>, vector<4x128x128xf32>
    %reduce_sum3A_64 = arith.constant dense<0.000000e+00> : vector<4x128xf32>
    %reduce_sum3A_65 = vector.multi_reduction <add>, %select_n3A_63, %reduce_sum3A_64 [2] : vector<4x128x128xf32> to vector<4x128xf32>
    %broadcast_in_dim3A_66 = vector.shape_cast %reduce_sum3A_65 : vector<4x128xf32> to vector<4x128x1xf32>
    %reduce_sum3A_67 = arith.constant dense<0.000000e+00> : vector<4x1xf32>
    %reduce_sum3A_68 = vector.multi_reduction <add>, %broadcast_in_dim3A_66, %reduce_sum3A_67 [1] : vector<4x128x1xf32> to vector<4x1xf32>
    %broadcast_in_dim3A_69 = vector.shape_cast %reduce_sum3A_68 : vector<4x1xf32> to vector<4x1x1xf32>
    %sub3A = vector.broadcast %broadcast_in_dim3A_51 : vector<4x1x1xf32> to vector<4x128x128xf32>
    %sub3A_70 = arith.subf %get3A_2, %sub3A : vector<4x128x128xf32>
    %sub3A_71 = vector.broadcast %broadcast_in_dim3A_60 : vector<4x1x1xf32> to vector<4x128x128xf32>
    %sub3A_72 = arith.subf %get3A_6, %sub3A_71 : vector<4x128x128xf32>
    %sub3A_73 = vector.broadcast %broadcast_in_dim3A_69 : vector<4x1x1xf32> to vector<4x128x128xf32>
    %sub3A_74 = arith.subf %get3A_10, %sub3A_73 : vector<4x128x128xf32>
    %mul3A_75 = arith.mulf %sub3A_70, %sub3A_70 : vector<4x128x128xf32>
    %mul3A_76 = arith.mulf %sub3A_72, %sub3A_72 : vector<4x128x128xf32>
    %add3A_77 = arith.addf %mul3A_75, %mul3A_76 : vector<4x128x128xf32>
    %mul3A_78 = arith.mulf %sub3A_74, %sub3A_74 : vector<4x128x128xf32>
    %add3A_79 = arith.addf %add3A_77, %mul3A_78 : vector<4x128x128xf32>
    %jit3A_80 = arith.constant 0xFF800000 : f32
    %broadcast_in_dim3A_81 = vector.broadcast %jit3A_80 : f32 to vector<4x128x128xf32>
    %select_n3A_82 = arith.select %lt3A_37, %add3A_79, %broadcast_in_dim3A_81 : vector<4x128x128xi1>, vector<4x128x128xf32>
    %iota3A_83 = tpu.iota {dimensions = array<i32: 2>} : vector<1x1x128xi32>
    %iota3A_84 = tpu.iota {dimensions = array<i32: 1>} : vector<1x128x1xi32>
    %broadcast_in_dim3A_85 = arith.constant 0.000000e+00 : f32
    %broadcast_in_dim3A_86 = vector.broadcast %broadcast_in_dim3A_85 : f32 to vector<4x1x128xf32>
    %broadcast_in_dim3A_87 = arith.constant 0.000000e+00 : f32
    %broadcast_in_dim3A_88 = vector.broadcast %broadcast_in_dim3A_87 : f32 to vector<4x128x1xf32>
    %eq3A_89 = arith.constant 0 : i32
    %eq3A_90 = vector.broadcast %eq3A_89 : i32 to vector<1x1x128xi32>
    %eq3A_91 = arith.cmpi eq, %iota3A_83, %eq3A_90 : vector<1x1x128xi32>
    %broadcast_in_dim3A_92 = vector.shape_cast %eq3A_91 : vector<1x1x128xi1> to vector<1x1x128xi1>
    %broadcast_in_dim3A_93 = vector.broadcast %broadcast_in_dim3A_92 : vector<1x1x128xi1> to vector<4x1x128xi1>
    %broadcast_in_dim3A_94 = vector.shape_cast %broadcast_in_dim3A_51 : vector<4x1x1xf32> to vector<4x1x1xf32>
    %broadcast_in_dim3A_95 = vector.broadcast %broadcast_in_dim3A_94 : vector<4x1x1xf32> to vector<4x1x128xf32>
    %select_n3A_96 = arith.select %broadcast_in_dim3A_93, %broadcast_in_dim3A_95, %broadcast_in_dim3A_86 : vector<4x1x128xi1>, vector<4x1x128xf32>
    %eq3A_97 = arith.constant 0 : i32
    %eq3A_98 = vector.broadcast %eq3A_97 : i32 to vector<1x1x128xi32>
    %eq3A_99 = arith.cmpi eq, %iota3A_83, %eq3A_98 : vector<1x1x128xi32>
    %broadcast_in_dim3A_100 = vector.shape_cast %eq3A_99 : vector<1x1x128xi1> to vector<1x1x128xi1>
    %broadcast_in_dim3A_101 = vector.broadcast %broadcast_in_dim3A_100 : vector<1x1x128xi1> to vector<4x1x128xi1>
    %broadcast_in_dim3A_102 = vector.shape_cast %broadcast_in_dim3A_60 : vector<4x1x1xf32> to vector<4x1x1xf32>
    %broadcast_in_dim3A_103 = vector.broadcast %broadcast_in_dim3A_102 : vector<4x1x1xf32> to vector<4x1x128xf32>
    %select_n3A_104 = arith.select %broadcast_in_dim3A_101, %broadcast_in_dim3A_103, %broadcast_in_dim3A_86 : vector<4x1x128xi1>, vector<4x1x128xf32>
    %eq3A_105 = arith.constant 0 : i32
    %eq3A_106 = vector.broadcast %eq3A_105 : i32 to vector<1x1x128xi32>
    %eq3A_107 = arith.cmpi eq, %iota3A_83, %eq3A_106 : vector<1x1x128xi32>
    %broadcast_in_dim3A_108 = vector.shape_cast %eq3A_107 : vector<1x1x128xi1> to vector<1x1x128xi1>
    %broadcast_in_dim3A_109 = vector.broadcast %broadcast_in_dim3A_108 : vector<1x1x128xi1> to vector<4x1x128xi1>
    %broadcast_in_dim3A_110 = vector.shape_cast %broadcast_in_dim3A_69 : vector<4x1x1xf32> to vector<4x1x1xf32>
    %broadcast_in_dim3A_111 = vector.broadcast %broadcast_in_dim3A_110 : vector<4x1x1xf32> to vector<4x1x128xf32>
    %select_n3A_112 = arith.select %broadcast_in_dim3A_109, %broadcast_in_dim3A_111, %broadcast_in_dim3A_86 : vector<4x1x128xi1>, vector<4x1x128xf32>
    %eq3A_113 = arith.constant 0 : i32
    %eq3A_114 = vector.broadcast %eq3A_113 : i32 to vector<1x128x1xi32>
    %eq3A_115 = arith.cmpi eq, %iota3A_84, %eq3A_114 : vector<1x128x1xi32>
    %broadcast_in_dim3A_116 = vector.shape_cast %eq3A_115 : vector<1x128x1xi1> to vector<1x128x1xi1>
    %broadcast_in_dim3A_117 = vector.broadcast %broadcast_in_dim3A_116 : vector<1x128x1xi1> to vector<4x128x1xi1>
    %broadcast_in_dim3A_118 = vector.shape_cast %broadcast_in_dim3A_51 : vector<4x1x1xf32> to vector<4x1x1xf32>
    %broadcast_in_dim3A_119 = vector.broadcast %broadcast_in_dim3A_118 : vector<4x1x1xf32> to vector<4x128x1xf32>
    %select_n3A_120 = arith.select %broadcast_in_dim3A_117, %broadcast_in_dim3A_119, %broadcast_in_dim3A_88 : vector<4x128x1xi1>, vector<4x128x1xf32>
    %eq3A_121 = arith.constant 0 : i32
    %eq3A_122 = vector.broadcast %eq3A_121 : i32 to vector<1x128x1xi32>
    %eq3A_123 = arith.cmpi eq, %iota3A_84, %eq3A_122 : vector<1x128x1xi32>
    %broadcast_in_dim3A_124 = vector.shape_cast %eq3A_123 : vector<1x128x1xi1> to vector<1x128x1xi1>
    %broadcast_in_dim3A_125 = vector.broadcast %broadcast_in_dim3A_124 : vector<1x128x1xi1> to vector<4x128x1xi1>
    %broadcast_in_dim3A_126 = vector.shape_cast %broadcast_in_dim3A_60 : vector<4x1x1xf32> to vector<4x1x1xf32>
    %broadcast_in_dim3A_127 = vector.broadcast %broadcast_in_dim3A_126 : vector<4x1x1xf32> to vector<4x128x1xf32>
    %select_n3A_128 = arith.select %broadcast_in_dim3A_125, %broadcast_in_dim3A_127, %broadcast_in_dim3A_88 : vector<4x128x1xi1>, vector<4x128x1xf32>
    %eq3A_129 = arith.constant 0 : i32
    %eq3A_130 = vector.broadcast %eq3A_129 : i32 to vector<1x128x1xi32>
    %eq3A_131 = arith.cmpi eq, %iota3A_84, %eq3A_130 : vector<1x128x1xi32>
    %broadcast_in_dim3A_132 = vector.shape_cast %eq3A_131 : vector<1x128x1xi1> to vector<1x128x1xi1>
    %broadcast_in_dim3A_133 = vector.broadcast %broadcast_in_dim3A_132 : vector<1x128x1xi1> to vector<4x128x1xi1>
    %broadcast_in_dim3A_134 = vector.shape_cast %broadcast_in_dim3A_69 : vector<4x1x1xf32> to vector<4x1x1xf32>
    %broadcast_in_dim3A_135 = vector.broadcast %broadcast_in_dim3A_134 : vector<4x1x1xf32> to vector<4x128x1xf32>
    %select_n3A_136 = arith.select %broadcast_in_dim3A_133, %broadcast_in_dim3A_135, %broadcast_in_dim3A_88 : vector<4x128x1xi1>, vector<4x128x1xf32>
    %scan3A = arith.constant 1 : i32
    %scan3A_137 = arith.constant 127 : i32
    %scan3A_138 = arith.addi %scan3A, %scan3A_137 : i32
    %scan3A_139 = arith.constant 1 : i32
    %scan3A_140:7 = scf.for %scan3A_222 = %scan3A to %scan3A_138 step %scan3A_139 iter_args(%scan3A_223 = %select_n3A_82, %scan3A_224 = %select_n3A_96, %scan3A_225 = %select_n3A_104, %scan3A_226 = %select_n3A_112, %scan3A_227 = %select_n3A_120, %scan3A_228 = %select_n3A_128, %scan3A_229 = %select_n3A_136) -> (vector<4x128x128xf32>, vector<4x1x128xf32>, vector<4x1x128xf32>, vector<4x1x128xf32>, vector<4x128x1xf32>, vector<4x128x1xf32>, vector<4x128x1xf32>)  : i32 {
      %reduce_max3A = arith.constant dense<0xFF800000> : vector<4x128xf32>
      %reduce_max3A_230 = vector.multi_reduction <maximumf>, %scan3A_223, %reduce_max3A [2] : vector<4x128x128xf32> to vector<4x128xf32>
      %broadcast_in_dim3A_231 = vector.shape_cast %reduce_max3A_230 : vector<4x128xf32> to vector<4x128x1xf32>
      %reduce_max3A_232 = arith.constant dense<0xFF800000> : vector<4x1xf32>
      %reduce_max3A_233 = vector.multi_reduction <maximumf>, %broadcast_in_dim3A_231, %reduce_max3A_232 [1] : vector<4x128x1xf32> to vector<4x1xf32>
      %broadcast_in_dim3A_234 = vector.shape_cast %reduce_max3A_233 : vector<4x1xf32> to vector<4x1x1xf32>
      %ge3A_235 = vector.broadcast %broadcast_in_dim3A_234 : vector<4x1x1xf32> to vector<4x128x128xf32>
      %ge3A_236 = arith.cmpf oge, %scan3A_223, %ge3A_235 : vector<4x128x128xf32>
      %jit3A_237 = arith.constant 16384 : i32
      %broadcast_in_dim3A_238 = vector.shape_cast %add3A : vector<1x128x128xi32> to vector<1x128x128xi32>
      %broadcast_in_dim3A_239 = vector.broadcast %broadcast_in_dim3A_238 : vector<1x128x128xi32> to vector<4x128x128xi32>
      %broadcast_in_dim3A_240 = vector.broadcast %jit3A_237 : i32 to vector<4x128x128xi32>
      %select_n3A_241 = arith.select %ge3A_236, %broadcast_in_dim3A_239, %broadcast_in_dim3A_240 : vector<4x128x128xi1>, vector<4x128x128xi32>
      %reduce_min3A = arith.constant dense<2147483647> : vector<4x128xi32>
      %reduce_min3A_242 = vector.multi_reduction <minsi>, %select_n3A_241, %reduce_min3A [2] : vector<4x128x128xi32> to vector<4x128xi32>
      %broadcast_in_dim3A_243 = vector.shape_cast %reduce_min3A_242 : vector<4x128xi32> to vector<4x128x1xi32>
      %reduce_min3A_244 = arith.constant dense<2147483647> : vector<4x1xi32>
      %reduce_min3A_245 = vector.multi_reduction <minsi>, %broadcast_in_dim3A_243, %reduce_min3A_244 [1] : vector<4x128x1xi32> to vector<4x1xi32>
      %broadcast_in_dim3A_246 = vector.shape_cast %reduce_min3A_245 : vector<4x1xi32> to vector<4x1x1xi32>
      %eq3A_247 = vector.broadcast %add3A : vector<1x128x128xi32> to vector<4x128x128xi32>
      %eq3A_248 = vector.broadcast %broadcast_in_dim3A_246 : vector<4x1x1xi32> to vector<4x128x128xi32>
      %eq3A_249 = arith.cmpi eq, %eq3A_247, %eq3A_248 : vector<4x128x128xi32>
      %jit3A_250 = arith.constant 0.000000e+00 : f32
      %broadcast_in_dim3A_251 = vector.broadcast %jit3A_250 : f32 to vector<4x128x128xf32>
      %select_n3A_252 = arith.select %eq3A_249, %get3A_2, %broadcast_in_dim3A_251 : vector<4x128x128xi1>, vector<4x128x128xf32>
      %reduce_sum3A_253 = arith.constant dense<0.000000e+00> : vector<4x128xf32>
      %reduce_sum3A_254 = vector.multi_reduction <add>, %select_n3A_252, %reduce_sum3A_253 [2] : vector<4x128x128xf32> to vector<4x128xf32>
      %broadcast_in_dim3A_255 = vector.shape_cast %reduce_sum3A_254 : vector<4x128xf32> to vector<4x128x1xf32>
      %reduce_sum3A_256 = arith.constant dense<0.000000e+00> : vector<4x1xf32>
      %reduce_sum3A_257 = vector.multi_reduction <add>, %broadcast_in_dim3A_255, %reduce_sum3A_256 [1] : vector<4x128x1xf32> to vector<4x1xf32>
      %broadcast_in_dim3A_258 = vector.shape_cast %reduce_sum3A_257 : vector<4x1xf32> to vector<4x1x1xf32>
      %jit3A_259 = arith.constant 0.000000e+00 : f32
      %broadcast_in_dim3A_260 = vector.broadcast %jit3A_259 : f32 to vector<4x128x128xf32>
      %select_n3A_261 = arith.select %eq3A_249, %get3A_6, %broadcast_in_dim3A_260 : vector<4x128x128xi1>, vector<4x128x128xf32>
      %reduce_sum3A_262 = arith.constant dense<0.000000e+00> : vector<4x128xf32>
      %reduce_sum3A_263 = vector.multi_reduction <add>, %select_n3A_261, %reduce_sum3A_262 [2] : vector<4x128x128xf32> to vector<4x128xf32>
      %broadcast_in_dim3A_264 = vector.shape_cast %reduce_sum3A_263 : vector<4x128xf32> to vector<4x128x1xf32>
      %reduce_sum3A_265 = arith.constant dense<0.000000e+00> : vector<4x1xf32>
      %reduce_sum3A_266 = vector.multi_reduction <add>, %broadcast_in_dim3A_264, %reduce_sum3A_265 [1] : vector<4x128x1xf32> to vector<4x1xf32>
      %broadcast_in_dim3A_267 = vector.shape_cast %reduce_sum3A_266 : vector<4x1xf32> to vector<4x1x1xf32>
      %jit3A_268 = arith.constant 0.000000e+00 : f32
      %broadcast_in_dim3A_269 = vector.broadcast %jit3A_268 : f32 to vector<4x128x128xf32>
      %select_n3A_270 = arith.select %eq3A_249, %get3A_10, %broadcast_in_dim3A_269 : vector<4x128x128xi1>, vector<4x128x128xf32>
      %reduce_sum3A_271 = arith.constant dense<0.000000e+00> : vector<4x128xf32>
      %reduce_sum3A_272 = vector.multi_reduction <add>, %select_n3A_270, %reduce_sum3A_271 [2] : vector<4x128x128xf32> to vector<4x128xf32>
      %broadcast_in_dim3A_273 = vector.shape_cast %reduce_sum3A_272 : vector<4x128xf32> to vector<4x128x1xf32>
      %reduce_sum3A_274 = arith.constant dense<0.000000e+00> : vector<4x1xf32>
      %reduce_sum3A_275 = vector.multi_reduction <add>, %broadcast_in_dim3A_273, %reduce_sum3A_274 [1] : vector<4x128x1xf32> to vector<4x1xf32>
      %broadcast_in_dim3A_276 = vector.shape_cast %reduce_sum3A_275 : vector<4x1xf32> to vector<4x1x1xf32>
      %sub3A_277 = vector.broadcast %broadcast_in_dim3A_258 : vector<4x1x1xf32> to vector<4x128x128xf32>
      %sub3A_278 = arith.subf %get3A_2, %sub3A_277 : vector<4x128x128xf32>
      %sub3A_279 = vector.broadcast %broadcast_in_dim3A_267 : vector<4x1x1xf32> to vector<4x128x128xf32>
      %sub3A_280 = arith.subf %get3A_6, %sub3A_279 : vector<4x128x128xf32>
      %sub3A_281 = vector.broadcast %broadcast_in_dim3A_276 : vector<4x1x1xf32> to vector<4x128x128xf32>
      %sub3A_282 = arith.subf %get3A_10, %sub3A_281 : vector<4x128x128xf32>
      %mul3A_283 = arith.mulf %sub3A_278, %sub3A_278 : vector<4x128x128xf32>
      %mul3A_284 = arith.mulf %sub3A_280, %sub3A_280 : vector<4x128x128xf32>
      %add3A_285 = arith.addf %mul3A_283, %mul3A_284 : vector<4x128x128xf32>
      %mul3A_286 = arith.mulf %sub3A_282, %sub3A_282 : vector<4x128x128xf32>
      %add3A_287 = arith.addf %add3A_285, %mul3A_286 : vector<4x128x128xf32>
      %min3A = arith.minimumf %scan3A_223, %add3A_287 : vector<4x128x128xf32>
      %jit3A_288 = arith.constant 0xFF800000 : f32
      %broadcast_in_dim3A_289 = vector.broadcast %jit3A_288 : f32 to vector<4x128x128xf32>
      %select_n3A_290 = arith.select %lt3A_37, %min3A, %broadcast_in_dim3A_289 : vector<4x128x128xi1>, vector<4x128x128xf32>
      %eq3A_291 = vector.broadcast %scan3A_222 : i32 to vector<1x1x128xi32>
      %eq3A_292 = arith.cmpi eq, %iota3A_83, %eq3A_291 : vector<1x1x128xi32>
      %broadcast_in_dim3A_293 = vector.shape_cast %eq3A_292 : vector<1x1x128xi1> to vector<1x1x128xi1>
      %broadcast_in_dim3A_294 = vector.broadcast %broadcast_in_dim3A_293 : vector<1x1x128xi1> to vector<4x1x128xi1>
      %broadcast_in_dim3A_295 = vector.shape_cast %broadcast_in_dim3A_258 : vector<4x1x1xf32> to vector<4x1x1xf32>
      %broadcast_in_dim3A_296 = vector.broadcast %broadcast_in_dim3A_295 : vector<4x1x1xf32> to vector<4x1x128xf32>
      %select_n3A_297 = arith.select %broadcast_in_dim3A_294, %broadcast_in_dim3A_296, %scan3A_224 : vector<4x1x128xi1>, vector<4x1x128xf32>
      %eq3A_298 = vector.broadcast %scan3A_222 : i32 to vector<1x1x128xi32>
      %eq3A_299 = arith.cmpi eq, %iota3A_83, %eq3A_298 : vector<1x1x128xi32>
      %broadcast_in_dim3A_300 = vector.shape_cast %eq3A_299 : vector<1x1x128xi1> to vector<1x1x128xi1>
      %broadcast_in_dim3A_301 = vector.broadcast %broadcast_in_dim3A_300 : vector<1x1x128xi1> to vector<4x1x128xi1>
      %broadcast_in_dim3A_302 = vector.shape_cast %broadcast_in_dim3A_267 : vector<4x1x1xf32> to vector<4x1x1xf32>
      %broadcast_in_dim3A_303 = vector.broadcast %broadcast_in_dim3A_302 : vector<4x1x1xf32> to vector<4x1x128xf32>
      %select_n3A_304 = arith.select %broadcast_in_dim3A_301, %broadcast_in_dim3A_303, %scan3A_225 : vector<4x1x128xi1>, vector<4x1x128xf32>
      %eq3A_305 = vector.broadcast %scan3A_222 : i32 to vector<1x1x128xi32>
      %eq3A_306 = arith.cmpi eq, %iota3A_83, %eq3A_305 : vector<1x1x128xi32>
      %broadcast_in_dim3A_307 = vector.shape_cast %eq3A_306 : vector<1x1x128xi1> to vector<1x1x128xi1>
      %broadcast_in_dim3A_308 = vector.broadcast %broadcast_in_dim3A_307 : vector<1x1x128xi1> to vector<4x1x128xi1>
      %broadcast_in_dim3A_309 = vector.shape_cast %broadcast_in_dim3A_276 : vector<4x1x1xf32> to vector<4x1x1xf32>
      %broadcast_in_dim3A_310 = vector.broadcast %broadcast_in_dim3A_309 : vector<4x1x1xf32> to vector<4x1x128xf32>
      %select_n3A_311 = arith.select %broadcast_in_dim3A_308, %broadcast_in_dim3A_310, %scan3A_226 : vector<4x1x128xi1>, vector<4x1x128xf32>
      %eq3A_312 = vector.broadcast %scan3A_222 : i32 to vector<1x128x1xi32>
      %eq3A_313 = arith.cmpi eq, %iota3A_84, %eq3A_312 : vector<1x128x1xi32>
      %broadcast_in_dim3A_314 = vector.shape_cast %eq3A_313 : vector<1x128x1xi1> to vector<1x128x1xi1>
      %broadcast_in_dim3A_315 = vector.broadcast %broadcast_in_dim3A_314 : vector<1x128x1xi1> to vector<4x128x1xi1>
      %broadcast_in_dim3A_316 = vector.shape_cast %broadcast_in_dim3A_258 : vector<4x1x1xf32> to vector<4x1x1xf32>
      %broadcast_in_dim3A_317 = vector.broadcast %broadcast_in_dim3A_316 : vector<4x1x1xf32> to vector<4x128x1xf32>
      %select_n3A_318 = arith.select %broadcast_in_dim3A_315, %broadcast_in_dim3A_317, %scan3A_227 : vector<4x128x1xi1>, vector<4x128x1xf32>
      %eq3A_319 = vector.broadcast %scan3A_222 : i32 to vector<1x128x1xi32>
      %eq3A_320 = arith.cmpi eq, %iota3A_84, %eq3A_319 : vector<1x128x1xi32>
      %broadcast_in_dim3A_321 = vector.shape_cast %eq3A_320 : vector<1x128x1xi1> to vector<1x128x1xi1>
      %broadcast_in_dim3A_322 = vector.broadcast %broadcast_in_dim3A_321 : vector<1x128x1xi1> to vector<4x128x1xi1>
      %broadcast_in_dim3A_323 = vector.shape_cast %broadcast_in_dim3A_267 : vector<4x1x1xf32> to vector<4x1x1xf32>
      %broadcast_in_dim3A_324 = vector.broadcast %broadcast_in_dim3A_323 : vector<4x1x1xf32> to vector<4x128x1xf32>
      %select_n3A_325 = arith.select %broadcast_in_dim3A_322, %broadcast_in_dim3A_324, %scan3A_228 : vector<4x128x1xi1>, vector<4x128x1xf32>
      %eq3A_326 = vector.broadcast %scan3A_222 : i32 to vector<1x128x1xi32>
      %eq3A_327 = arith.cmpi eq, %iota3A_84, %eq3A_326 : vector<1x128x1xi32>
      %broadcast_in_dim3A_328 = vector.shape_cast %eq3A_327 : vector<1x128x1xi1> to vector<1x128x1xi1>
      %broadcast_in_dim3A_329 = vector.broadcast %broadcast_in_dim3A_328 : vector<1x128x1xi1> to vector<4x128x1xi1>
      %broadcast_in_dim3A_330 = vector.shape_cast %broadcast_in_dim3A_276 : vector<4x1x1xf32> to vector<4x1x1xf32>
      %broadcast_in_dim3A_331 = vector.broadcast %broadcast_in_dim3A_330 : vector<4x1x1xf32> to vector<4x128x1xf32>
      %select_n3A_332 = arith.select %broadcast_in_dim3A_329, %broadcast_in_dim3A_331, %scan3A_229 : vector<4x128x1xi1>, vector<4x128x1xf32>
      scf.yield %select_n3A_290, %select_n3A_297, %select_n3A_304, %select_n3A_311, %select_n3A_318, %select_n3A_325, %select_n3A_332 : vector<4x128x128xf32>, vector<4x1x128xf32>, vector<4x1x128xf32>, vector<4x1x128xf32>, vector<4x128x1xf32>, vector<4x128x1xf32>, vector<4x128x1xf32>
    }
    %scan3A_141 = arith.constant 127 : i32
    %sub3A_142 = vector.broadcast %scan3A_140#4 : vector<4x128x1xf32> to vector<4x128x128xf32>
    %sub3A_143 = vector.broadcast %scan3A_140#1 : vector<4x1x128xf32> to vector<4x128x128xf32>
    %sub3A_144 = arith.subf %sub3A_142, %sub3A_143 : vector<4x128x128xf32>
    %sub3A_145 = vector.broadcast %scan3A_140#5 : vector<4x128x1xf32> to vector<4x128x128xf32>
    %sub3A_146 = vector.broadcast %scan3A_140#2 : vector<4x1x128xf32> to vector<4x128x128xf32>
    %sub3A_147 = arith.subf %sub3A_145, %sub3A_146 : vector<4x128x128xf32>
    %sub3A_148 = vector.broadcast %scan3A_140#6 : vector<4x128x1xf32> to vector<4x128x128xf32>
    %sub3A_149 = vector.broadcast %scan3A_140#3 : vector<4x1x128xf32> to vector<4x128x128xf32>
    %sub3A_150 = arith.subf %sub3A_148, %sub3A_149 : vector<4x128x128xf32>
    %mul3A_151 = arith.mulf %sub3A_144, %sub3A_144 : vector<4x128x128xf32>
    %mul3A_152 = arith.mulf %sub3A_147, %sub3A_147 : vector<4x128x128xf32>
    %add3A_153 = arith.addf %mul3A_151, %mul3A_152 : vector<4x128x128xf32>
    %mul3A_154 = arith.mulf %sub3A_150, %sub3A_150 : vector<4x128x128xf32>
    %add3A_155 = arith.addf %add3A_153, %mul3A_154 : vector<4x128x128xf32>
    %sqrt3A = math.sqrt %add3A_155 : vector<4x128x128xf32>
    %lt3A_156 = arith.constant 1.500000e-01 : f32
    %lt3A_157 = vector.broadcast %lt3A_156 : f32 to vector<4x128x128xf32>
    %lt3A_158 = arith.cmpf olt, %sqrt3A, %lt3A_157 : vector<4x128x128xf32>
    %jit3A_159 = arith.constant 1.000000e+00 : f32
    %jit3A_160 = arith.constant 0.000000e+00 : f32
    %broadcast_in_dim3A_161 = vector.broadcast %jit3A_159 : f32 to vector<4x128x128xf32>
    %broadcast_in_dim3A_162 = vector.broadcast %jit3A_160 : f32 to vector<4x128x128xf32>
    %select_n3A_163 = arith.select %lt3A_158, %broadcast_in_dim3A_161, %broadcast_in_dim3A_162 : vector<4x128x128xi1>, vector<4x128x128xf32>
    %eq3A_164 = arith.constant 0 : i32
    %eq3A_165 = vector.broadcast %eq3A_164 : i32 to vector<1x1x128xi32>
    %eq3A_166 = arith.cmpi eq, %iota3A_83, %eq3A_165 : vector<1x1x128xi32>
    %broadcast_in_dim3A_167 = arith.constant 1.000000e+00 : f32
    %broadcast_in_dim3A_168 = vector.broadcast %broadcast_in_dim3A_167 : f32 to vector<4x1x128xf32>
    %jit3A_169 = arith.constant 0.000000e+00 : f32
    %broadcast_in_dim3A_170 = vector.shape_cast %eq3A_166 : vector<1x1x128xi1> to vector<1x1x128xi1>
    %broadcast_in_dim3A_171 = vector.broadcast %broadcast_in_dim3A_170 : vector<1x1x128xi1> to vector<4x1x128xi1>
    %broadcast_in_dim3A_172 = vector.broadcast %jit3A_169 : f32 to vector<4x1x128xf32>
    %select_n3A_173 = arith.select %broadcast_in_dim3A_171, %broadcast_in_dim3A_168, %broadcast_in_dim3A_172 : vector<4x1x128xi1>, vector<4x1x128xf32>
    %scan3A_174 = arith.constant 1 : i32
    %scan3A_175 = arith.constant 127 : i32
    %scan3A_176 = arith.addi %scan3A_174, %scan3A_175 : i32
    %scan3A_177 = arith.constant 1 : i32
    %scan3A_178 = scf.for %scan3A_222 = %scan3A_174 to %scan3A_176 step %scan3A_177 iter_args(%scan3A_223 = %select_n3A_173) -> (vector<4x1x128xf32>)  : i32 {
      %eq3A_224 = vector.broadcast %scan3A_222 : i32 to vector<1x128x1xi32>
      %eq3A_225 = arith.cmpi eq, %iota3A_84, %eq3A_224 : vector<1x128x1xi32>
      %jit3A_226 = arith.constant 0.000000e+00 : f32
      %broadcast_in_dim3A_227 = vector.shape_cast %eq3A_225 : vector<1x128x1xi1> to vector<1x128x1xi1>
      %broadcast_in_dim3A_228 = vector.broadcast %broadcast_in_dim3A_227 : vector<1x128x1xi1> to vector<4x128x128xi1>
      %broadcast_in_dim3A_229 = vector.broadcast %jit3A_226 : f32 to vector<4x128x128xf32>
      %select_n3A_230 = arith.select %broadcast_in_dim3A_228, %select_n3A_163, %broadcast_in_dim3A_229 : vector<4x128x128xi1>, vector<4x128x128xf32>
      %reduce_max3A = arith.constant dense<0xFF800000> : vector<4x128xf32>
      %reduce_max3A_231 = vector.multi_reduction <maximumf>, %select_n3A_230, %reduce_max3A [1] : vector<4x128x128xf32> to vector<4x128xf32>
      %broadcast_in_dim3A_232 = vector.shape_cast %reduce_max3A_231 : vector<4x128xf32> to vector<4x1x128xf32>
      %gt3A = arith.constant 0.000000e+00 : f32
      %gt3A_233 = vector.broadcast %gt3A : f32 to vector<4x1x128xf32>
      %gt3A_234 = arith.cmpf ogt, %scan3A_223, %gt3A_233 : vector<4x1x128xf32>
      %lt3A_235 = vector.broadcast %scan3A_222 : i32 to vector<1x1x128xi32>
      %lt3A_236 = arith.cmpi slt, %iota3A_83, %lt3A_235 : vector<1x1x128xi32>
      %and3A_237 = vector.broadcast %lt3A_236 : vector<1x1x128xi1> to vector<4x1x128xi1>
      %and3A_238 = arith.andi %gt3A_234, %and3A_237 : vector<4x1x128xi1>
      %gt3A_239 = arith.constant 0.000000e+00 : f32
      %gt3A_240 = vector.broadcast %gt3A_239 : f32 to vector<4x1x128xf32>
      %gt3A_241 = arith.cmpf ogt, %broadcast_in_dim3A_232, %gt3A_240 : vector<4x1x128xf32>
      %and3A_242 = arith.andi %and3A_238, %gt3A_241 : vector<4x1x128xi1>
      %jit3A_243 = arith.constant 1.000000e+00 : f32
      %jit3A_244 = arith.constant 0.000000e+00 : f32
      %broadcast_in_dim3A_245 = vector.broadcast %jit3A_243 : f32 to vector<4x1x128xf32>
      %broadcast_in_dim3A_246 = vector.broadcast %jit3A_244 : f32 to vector<4x1x128xf32>
      %select_n3A_247 = arith.select %and3A_242, %broadcast_in_dim3A_245, %broadcast_in_dim3A_246 : vector<4x1x128xi1>, vector<4x1x128xf32>
      %reduce_max3A_248 = arith.constant dense<0xFF800000> : vector<4x1xf32>
      %reduce_max3A_249 = vector.multi_reduction <maximumf>, %select_n3A_247, %reduce_max3A_248 [2] : vector<4x1x128xf32> to vector<4x1xf32>
      %broadcast_in_dim3A_250 = vector.shape_cast %reduce_max3A_249 : vector<4x1xf32> to vector<4x1x1xf32>
      %reduce_max3A_251 = arith.constant dense<0xFF800000> : vector<4x1xf32>
      %reduce_max3A_252 = vector.multi_reduction <maximumf>, %broadcast_in_dim3A_250, %reduce_max3A_251 [1] : vector<4x1x1xf32> to vector<4x1xf32>
      %broadcast_in_dim3A_253 = vector.shape_cast %reduce_max3A_252 : vector<4x1xf32> to vector<4x1x1xf32>
      %gt3A_254 = arith.constant 0.000000e+00 : f32
      %gt3A_255 = vector.broadcast %gt3A_254 : f32 to vector<4x1x1xf32>
      %gt3A_256 = arith.cmpf ogt, %broadcast_in_dim3A_253, %gt3A_255 : vector<4x1x1xf32>
      %eq3A_257 = vector.broadcast %scan3A_222 : i32 to vector<1x1x128xi32>
      %eq3A_258 = arith.cmpi eq, %iota3A_83, %eq3A_257 : vector<1x1x128xi32>
      %jit3A_259 = arith.constant 0.000000e+00 : f32
      %jit3A_260 = arith.constant 1.000000e+00 : f32
      %broadcast_in_dim3A_261 = vector.broadcast %jit3A_259 : f32 to vector<4x1x1xf32>
      %broadcast_in_dim3A_262 = vector.broadcast %jit3A_260 : f32 to vector<4x1x1xf32>
      %select_n3A_263 = arith.select %gt3A_256, %broadcast_in_dim3A_261, %broadcast_in_dim3A_262 : vector<4x1x1xi1>, vector<4x1x1xf32>
      %broadcast_in_dim3A_264 = vector.shape_cast %eq3A_258 : vector<1x1x128xi1> to vector<1x1x128xi1>
      %broadcast_in_dim3A_265 = vector.broadcast %broadcast_in_dim3A_264 : vector<1x1x128xi1> to vector<4x1x128xi1>
      %broadcast_in_dim3A_266 = vector.shape_cast %select_n3A_263 : vector<4x1x1xf32> to vector<4x1x1xf32>
      %broadcast_in_dim3A_267 = vector.broadcast %broadcast_in_dim3A_266 : vector<4x1x1xf32> to vector<4x1x128xf32>
      %select_n3A_268 = arith.select %broadcast_in_dim3A_265, %broadcast_in_dim3A_267, %scan3A_223 : vector<4x1x128xi1>, vector<4x1x128xf32>
      scf.yield %select_n3A_268 : vector<4x1x128xf32>
    }
    %scan3A_179 = arith.constant 127 : i32
    %reduce_sum3A_180 = arith.constant dense<0.000000e+00> : vector<4x1xf32>
    %reduce_sum3A_181 = vector.multi_reduction <add>, %scan3A_178, %reduce_sum3A_180 [2] : vector<4x1x128xf32> to vector<4x1xf32>
    %broadcast_in_dim3A_182 = vector.shape_cast %reduce_sum3A_181 : vector<4x1xf32> to vector<4x1x1xf32>
    %reduce_sum3A_183 = arith.constant dense<0.000000e+00> : vector<4x1xf32>
    %reduce_sum3A_184 = vector.multi_reduction <add>, %broadcast_in_dim3A_182, %reduce_sum3A_183 [1] : vector<4x1x1xf32> to vector<4x1xf32>
    %broadcast_in_dim3A_185 = vector.shape_cast %reduce_sum3A_184 : vector<4x1xf32> to vector<4x1x1xf32>
    %convert_element_type3A = arith.fptosi %broadcast_in_dim3A_185 : vector<4x1x1xf32> to vector<4x1x1xi32>
    %iota3A_186 = tpu.iota {dimensions = array<i32: 2>} : vector<1x128x128xi32>
    %eq3A_187 = arith.constant 0 : i32
    %eq3A_188 = vector.broadcast %eq3A_187 : i32 to vector<1x128x128xi32>
    %eq3A_189 = arith.cmpi eq, %iota3A_186, %eq3A_188 : vector<1x128x128xi32>
    %eq3A_190 = arith.constant 1 : i32
    %eq3A_191 = vector.broadcast %eq3A_190 : i32 to vector<1x128x128xi32>
    %eq3A_192 = arith.cmpi eq, %iota3A_186, %eq3A_191 : vector<1x128x128xi32>
    %eq3A_193 = arith.constant 2 : i32
    %eq3A_194 = vector.broadcast %eq3A_193 : i32 to vector<1x128x128xi32>
    %eq3A_195 = arith.cmpi eq, %iota3A_186, %eq3A_194 : vector<1x128x128xi32>
    %broadcast_in_dim3A_196 = arith.constant 0.000000e+00 : f32
    %broadcast_in_dim3A_197 = vector.broadcast %broadcast_in_dim3A_196 : f32 to vector<4x128x128xf32>
    %broadcast_in_dim3A_198 = vector.shape_cast %eq3A_195 : vector<1x128x128xi1> to vector<1x128x128xi1>
    %broadcast_in_dim3A_199 = vector.broadcast %broadcast_in_dim3A_198 : vector<1x128x128xi1> to vector<4x128x128xi1>
    %broadcast_in_dim3A_200 = vector.shape_cast %scan3A_140#6 : vector<4x128x1xf32> to vector<4x128x1xf32>
    %broadcast_in_dim3A_201 = vector.broadcast %broadcast_in_dim3A_200 : vector<4x128x1xf32> to vector<4x128x128xf32>
    %select_n3A_202 = arith.select %broadcast_in_dim3A_199, %broadcast_in_dim3A_201, %broadcast_in_dim3A_197 : vector<4x128x128xi1>, vector<4x128x128xf32>
    %broadcast_in_dim3A_203 = vector.shape_cast %eq3A_192 : vector<1x128x128xi1> to vector<1x128x128xi1>
    %broadcast_in_dim3A_204 = vector.broadcast %broadcast_in_dim3A_203 : vector<1x128x128xi1> to vector<4x128x128xi1>
    %broadcast_in_dim3A_205 = vector.shape_cast %scan3A_140#5 : vector<4x128x1xf32> to vector<4x128x1xf32>
    %broadcast_in_dim3A_206 = vector.broadcast %broadcast_in_dim3A_205 : vector<4x128x1xf32> to vector<4x128x128xf32>
    %select_n3A_207 = arith.select %broadcast_in_dim3A_204, %broadcast_in_dim3A_206, %select_n3A_202 : vector<4x128x128xi1>, vector<4x128x128xf32>
    %broadcast_in_dim3A_208 = vector.shape_cast %eq3A_189 : vector<1x128x128xi1> to vector<1x128x128xi1>
    %broadcast_in_dim3A_209 = vector.broadcast %broadcast_in_dim3A_208 : vector<1x128x128xi1> to vector<4x128x128xi1>
    %broadcast_in_dim3A_210 = vector.shape_cast %scan3A_140#4 : vector<4x128x1xf32> to vector<4x128x1xf32>
    %broadcast_in_dim3A_211 = vector.broadcast %broadcast_in_dim3A_210 : vector<4x128x1xf32> to vector<4x128x128xf32>
    %select_n3A_212 = arith.select %broadcast_in_dim3A_209, %broadcast_in_dim3A_211, %select_n3A_207 : vector<4x128x128xi1>, vector<4x128x128xf32>
    %swap3A = arith.constant 0 : index
    %swap3A_213 = arith.constant 0 : index
    %swap3A_214 = arith.constant 0 : index
    %swap3A_215 = vector.load %arg5[%swap3A, %swap3A_213, %swap3A_214] : memref<4x128x128xf32, #tpu.memory_space<vmem>>, vector<4x128x128xf32>
    tpu.vector_store %arg5[%swap3A, %swap3A_213, %swap3A_214], %select_n3A_212 {strides = array<i32>} : memref<4x128x128xf32, #tpu.memory_space<vmem>>, vector<4x128x128xf32>,
    %broadcast_in_dim3A_216 = vector.shape_cast %convert_element_type3A : vector<4x1x1xi32> to vector<4x1x1xi32>
    %broadcast_in_dim3A_217 = vector.broadcast %broadcast_in_dim3A_216 : vector<4x1x1xi32> to vector<4x8x128xi32>
    %swap3A_218 = arith.constant 0 : index
    %swap3A_219 = arith.constant 0 : index
    %swap3A_220 = arith.constant 0 : index
    %swap3A_221 = vector.load %arg6[%swap3A_218, %swap3A_219, %swap3A_220] : memref<4x8x128xi32, #tpu.memory_space<vmem>>, vector<4x8x128xi32>
    tpu.vector_store %arg6[%swap3A_218, %swap3A_219, %swap3A_220], %broadcast_in_dim3A_217 {strides = array<i32>} : memref<4x8x128xi32, #tpu.memory_space<vmem>>, vector<4x8x128xi32>,
    return
  }
  func.func @transform_0(%arg0: i32) -> i32 {
    %c0_i32 = arith.constant 0 : i32
    %c0_i32_0 = arith.constant 0 : i32
    return %c0_i32 : i32
  }
  func.func @transform_1(%arg0: i32) -> (i32, i32, i32) {
    %c0_i32 = arith.constant 0 : i32
    %c0_i32_0 = arith.constant 0 : i32
    %c0_i32_1 = arith.constant 0 : i32
    %c0_i32_2 = arith.constant 0 : i32
    return %c0_i32, %c0_i32_0, %c0_i32_1 : i32, i32, i32
  }
  func.func @transform_2(%arg0: i32) -> (i32, i32, i32) {
    %c0_i32 = arith.constant 0 : i32
    %c0_i32_0 = arith.constant 0 : i32
    %c0_i32_1 = arith.constant 0 : i32
    %c0_i32_2 = arith.constant 0 : i32
    return %c0_i32, %c0_i32_0, %c0_i32_1 : i32, i32, i32
  }
  func.func @transform_3(%arg0: i32) -> (i32, i32, i32) {
    %c0_i32 = arith.constant 0 : i32
    %c0_i32_0 = arith.constant 0 : i32
    %c0_i32_1 = arith.constant 0 : i32
    %c0_i32_2 = arith.constant 0 : i32
    return %c0_i32, %c0_i32_0, %c0_i32_1 : i32, i32, i32
  }
  func.func @transform_4(%arg0: i32) -> (i32, i32, i32) {
    %c0_i32 = arith.constant 0 : i32
    %c0_i32_0 = arith.constant 0 : i32
    %c0_i32_1 = arith.constant 0 : i32
    %c0_i32_2 = arith.constant 0 : i32
    return %c0_i32, %c0_i32_0, %c0_i32_1 : i32, i32, i32
  }
  func.func @transform_5(%arg0: i32) -> (i32, i32, i32) {
    %c0_i32 = arith.constant 0 : i32
    %c0_i32_0 = arith.constant 0 : i32
    %c0_i32_1 = arith.constant 0 : i32
    %c0_i32_2 = arith.constant 0 : i32
    return %c0_i32, %c0_i32_0, %c0_i32_1 : i32, i32, i32
  }
}

module attributes {stable_mosaic.version = 14 : i64} {
  func.func @_ballq_body(%arg0: i32, %arg1: i32, %arg2: memref<4xi32, #tpu.memory_space<smem>>, %arg3: memref<4xi32, #tpu.memory_space<smem>>, %arg4: memref<1x4x16384xf32, #tpu.memory_space<vmem>>, %arg5: memref<1x32x128xf32, #tpu.memory_space<vmem>>, %arg6: memref<1x32x128xi32, #tpu.memory_space<vmem>>, %arg7: memref<1x32x128xf32, #tpu.memory_space<vmem>>) attributes {dimension_semantics = [#tpu.dimension_semantics<arbitrary>, #tpu.dimension_semantics<arbitrary>], iteration_bounds = array<i64: 4, 4>, scalar_prefetch = 0 : i64, scratch_operands = 0 : i64, tpu.core_type = #tpu.core_type<tc>, window_params = [{transform_indices = @transform_0, window_bounds = array<i64: 4>}, {transform_indices = @transform_1, window_bounds = array<i64: 4>}, {transform_indices = @transform_2, window_bounds = array<i64: 1, 4, 16384>}, {transform_indices = @transform_3, window_bounds = array<i64: 1, 32, 128>}, {transform_indices = @transform_4, window_bounds = array<i64: 1, 32, 128>}, {transform_indices = @transform_5, window_bounds = array<i64: 1, 32, 128>}]} {
    %get3A = arith.index_cast %arg0 : i32 to index
    %get3A_0 = memref.load %arg2[%get3A] : memref<4xi32, #tpu.memory_space<smem>>
    %get3A_1 = arith.index_cast %arg0 : i32 to index
    %get3A_2 = memref.load %arg3[%get3A_1] : memref<4xi32, #tpu.memory_space<smem>>
    %get3A_3 = arith.constant 0 : index
    %get3A_4 = arith.constant 0 : index
    %get3A_5 = arith.constant 0 : index
    %get3A_6 = vector.load %arg4[%get3A_3, %get3A_4, %get3A_5] : memref<1x4x16384xf32, #tpu.memory_space<vmem>>, vector<1x1x16384xf32>
    %get3A_7 = vector.shape_cast %get3A_6 : vector<1x1x16384xf32> to vector<1x16384xf32>
    %get3A_8 = arith.constant 0 : index
    %get3A_9 = arith.constant 1 : index
    %get3A_10 = arith.constant 0 : index
    %get3A_11 = vector.load %arg4[%get3A_8, %get3A_9, %get3A_10] : memref<1x4x16384xf32, #tpu.memory_space<vmem>>, vector<1x1x16384xf32>
    %get3A_12 = vector.shape_cast %get3A_11 : vector<1x1x16384xf32> to vector<1x16384xf32>
    %get3A_13 = arith.constant 0 : index
    %get3A_14 = arith.constant 2 : index
    %get3A_15 = arith.constant 0 : index
    %get3A_16 = vector.load %arg4[%get3A_13, %get3A_14, %get3A_15] : memref<1x4x16384xf32, #tpu.memory_space<vmem>>, vector<1x1x16384xf32>
    %get3A_17 = vector.shape_cast %get3A_16 : vector<1x1x16384xf32> to vector<1x16384xf32>
    %get3A_18 = arith.constant 0 : index
    %get3A_19 = arith.constant 3 : index
    %get3A_20 = arith.constant 0 : index
    %get3A_21 = vector.load %arg4[%get3A_18, %get3A_19, %get3A_20] : memref<1x4x16384xf32, #tpu.memory_space<vmem>>, vector<1x1x16384xf32>
    %get3A_22 = vector.shape_cast %get3A_21 : vector<1x1x16384xf32> to vector<1x16384xf32>
    %get3A_23 = arith.constant 0 : index
    %get3A_24 = arith.constant 0 : index
    %get3A_25 = arith.constant 0 : index
    %get3A_26 = vector.load %arg5[%get3A_23, %get3A_24, %get3A_25] : memref<1x32x128xf32, #tpu.memory_space<vmem>>, vector<1x32x128xf32>
    %get3A_27 = vector.shape_cast %get3A_26 : vector<1x32x128xf32> to vector<32x128xf32>
    %slice3A = vector.extract_strided_slice %get3A_27 {offsets = [0, 0], sizes = [32, 1], strides = [1, 1]} : vector<32x128xf32> to vector<32x1xf32>
    %get3A_28 = arith.constant 0 : index
    %get3A_29 = arith.constant 0 : index
    %get3A_30 = arith.constant 0 : index
    %get3A_31 = vector.load %arg5[%get3A_28, %get3A_29, %get3A_30] : memref<1x32x128xf32, #tpu.memory_space<vmem>>, vector<1x32x128xf32>
    %get3A_32 = vector.shape_cast %get3A_31 : vector<1x32x128xf32> to vector<32x128xf32>
    %slice3A_33 = vector.extract_strided_slice %get3A_32 {offsets = [0, 1], sizes = [32, 1], strides = [1, 1]} : vector<32x128xf32> to vector<32x1xf32>
    %get3A_34 = arith.constant 0 : index
    %get3A_35 = arith.constant 0 : index
    %get3A_36 = arith.constant 0 : index
    %get3A_37 = vector.load %arg5[%get3A_34, %get3A_35, %get3A_36] : memref<1x32x128xf32, #tpu.memory_space<vmem>>, vector<1x32x128xf32>
    %get3A_38 = vector.shape_cast %get3A_37 : vector<1x32x128xf32> to vector<32x128xf32>
    %slice3A_39 = vector.extract_strided_slice %get3A_38 {offsets = [0, 2], sizes = [32, 1], strides = [1, 1]} : vector<32x128xf32> to vector<32x1xf32>
    %sub3A = vector.broadcast %slice3A : vector<32x1xf32> to vector<32x16384xf32>
    %sub3A_40 = vector.broadcast %get3A_7 : vector<1x16384xf32> to vector<32x16384xf32>
    %sub3A_41 = arith.subf %sub3A, %sub3A_40 : vector<32x16384xf32>
    %sub3A_42 = vector.broadcast %slice3A_33 : vector<32x1xf32> to vector<32x16384xf32>
    %sub3A_43 = vector.broadcast %get3A_12 : vector<1x16384xf32> to vector<32x16384xf32>
    %sub3A_44 = arith.subf %sub3A_42, %sub3A_43 : vector<32x16384xf32>
    %sub3A_45 = vector.broadcast %slice3A_39 : vector<32x1xf32> to vector<32x16384xf32>
    %sub3A_46 = vector.broadcast %get3A_17 : vector<1x16384xf32> to vector<32x16384xf32>
    %sub3A_47 = arith.subf %sub3A_45, %sub3A_46 : vector<32x16384xf32>
    %mul3A = arith.mulf %sub3A_41, %sub3A_41 : vector<32x16384xf32>
    %mul3A_48 = arith.mulf %sub3A_44, %sub3A_44 : vector<32x16384xf32>
    %add3A = arith.addf %mul3A, %mul3A_48 : vector<32x16384xf32>
    %mul3A_49 = arith.mulf %sub3A_47, %sub3A_47 : vector<32x16384xf32>
    %add3A_50 = arith.addf %add3A, %mul3A_49 : vector<32x16384xf32>
    %iota3A = tpu.iota {dimensions = array<i32: 1>} : vector<1x16384xi32>
    %iota3A_51 = tpu.iota {dimensions = array<i32: 0>} : vector<32x1xi32>
    %mul3A_52 = arith.constant 32 : i32
    %mul3A_53 = arith.muli %arg1, %mul3A_52 : i32
    %add3A_54 = vector.broadcast %mul3A_53 : i32 to vector<32x1xi32>
    %add3A_55 = arith.addi %add3A_54, %iota3A_51 : vector<32x1xi32>
    %le3A = arith.constant 6.250000e-02 : f32
    %le3A_56 = vector.broadcast %le3A : f32 to vector<32x16384xf32>
    %le3A_57 = arith.cmpf ole, %add3A_50, %le3A_56 : vector<32x16384xf32>
    %lt3A = vector.broadcast %get3A_0 : i32 to vector<1x16384xi32>
    %lt3A_58 = arith.cmpi slt, %iota3A, %lt3A : vector<1x16384xi32>
    %and3A = vector.broadcast %lt3A_58 : vector<1x16384xi1> to vector<32x16384xi1>
    %and3A_59 = arith.andi %le3A_57, %and3A : vector<32x16384xi1>
    %lt3A_60 = vector.broadcast %get3A_2 : i32 to vector<32x1xi32>
    %lt3A_61 = arith.cmpi slt, %add3A_55, %lt3A_60 : vector<32x1xi32>
    %and3A_62 = vector.broadcast %lt3A_61 : vector<32x1xi1> to vector<32x16384xi1>
    %and3A_63 = arith.andi %and3A_59, %and3A_62 : vector<32x16384xi1>
    %jit3A = arith.constant 1.000000e+00 : f32
    %jit3A_64 = arith.constant 0.000000e+00 : f32
    %broadcast_in_dim3A = vector.broadcast %jit3A : f32 to vector<32x16384xf32>
    %broadcast_in_dim3A_65 = vector.broadcast %jit3A_64 : f32 to vector<32x16384xf32>
    %select_n3A = arith.select %and3A_63, %broadcast_in_dim3A, %broadcast_in_dim3A_65 : vector<32x16384xi1>, vector<32x16384xf32>
    %iota3A_66 = tpu.iota {dimensions = array<i32: 0>} : vector<16384x128xi32>
    %iota3A_67 = tpu.iota {dimensions = array<i32: 1>} : vector<16384x128xi32>
    %add3A_68 = arith.constant 1 : i32
    %add3A_69 = vector.broadcast %add3A_68 : i32 to vector<16384x128xi32>
    %add3A_70 = arith.addi %iota3A_67, %add3A_69 : vector<16384x128xi32>
    %mul3A_71 = arith.constant 128 : i32
    %mul3A_72 = vector.broadcast %mul3A_71 : i32 to vector<16384x128xi32>
    %mul3A_73 = arith.muli %add3A_70, %mul3A_72 : vector<16384x128xi32>
    %lt3A_74 = arith.cmpi slt, %iota3A_66, %mul3A_73 : vector<16384x128xi32>
    %jit3A_75 = arith.constant 1.000000e+00 : f32
    %jit3A_76 = arith.constant 0.000000e+00 : f32
    %broadcast_in_dim3A_77 = vector.broadcast %jit3A_75 : f32 to vector<16384x128xf32>
    %broadcast_in_dim3A_78 = vector.broadcast %jit3A_76 : f32 to vector<16384x128xf32>
    %select_n3A_79 = arith.select %lt3A_74, %broadcast_in_dim3A_77, %broadcast_in_dim3A_78 : vector<16384x128xi1>, vector<16384x128xf32>
    %dot_general3A = arith.constant dense<0.000000e+00> : vector<32x128xf32>
    %dot_general3A_80 = tpu.matmul %select_n3A, %select_n3A_79, %dot_general3A {dimension_numbers = #tpu.dot_dimension_numbers<[1], [0], [0], [1], [0, 0, 1, 1], [], []>, transpose_lhs_hint = false} : vector<32x16384xf32>, vector<16384x128xf32>, vector<32x128xf32> -> vector<32x128xf32>
    %iota3A_81 = tpu.iota {dimensions = array<i32: 1>} : vector<1x128xi32>
    %gt3A = arith.constant 5.120000e+02 : f32
    %gt3A_82 = vector.broadcast %gt3A : f32 to vector<32x128xf32>
    %gt3A_83 = arith.cmpf ogt, %dot_general3A_80, %gt3A_82 : vector<32x128xf32>
    %jit3A_84 = arith.constant 128 : i32
    %broadcast_in_dim3A_85 = vector.shape_cast %iota3A_81 : vector<1x128xi32> to vector<1x128xi32>
    %broadcast_in_dim3A_86 = vector.broadcast %broadcast_in_dim3A_85 : vector<1x128xi32> to vector<32x128xi32>
    %broadcast_in_dim3A_87 = vector.broadcast %jit3A_84 : i32 to vector<32x128xi32>
    %select_n3A_88 = arith.select %gt3A_83, %broadcast_in_dim3A_86, %broadcast_in_dim3A_87 : vector<32x128xi1>, vector<32x128xi32>
    %reduce_min3A = arith.constant dense<2147483647> : vector<32xi32>
    %reduce_min3A_89 = vector.multi_reduction <minsi>, %select_n3A_88, %reduce_min3A [1] : vector<32x128xi32> to vector<32xi32>
    %broadcast_in_dim3A_90 = vector.shape_cast %reduce_min3A_89 : vector<32xi32> to vector<32x1xi32>
    %mul3A_91 = arith.constant 128 : i32
    %mul3A_92 = vector.broadcast %mul3A_91 : i32 to vector<32x1xi32>
    %mul3A_93 = arith.muli %broadcast_in_dim3A_90, %mul3A_92 : vector<32x1xi32>
    %add3A_94 = arith.constant 128 : i32
    %add3A_95 = vector.broadcast %add3A_94 : i32 to vector<32x1xi32>
    %add3A_96 = arith.addi %mul3A_93, %add3A_95 : vector<32x1xi32>
    %scan3A = arith.constant 0 : i32
    %scan3A_97 = arith.constant 7 : i32
    %scan3A_98 = arith.addi %scan3A, %scan3A_97 : i32
    %scan3A_99 = arith.constant 1 : i32
    %scan3A_100:2 = scf.for %scan3A_158 = %scan3A to %scan3A_98 step %scan3A_99 iter_args(%scan3A_159 = %mul3A_93, %scan3A_160 = %add3A_96) -> (vector<32x1xi32>, vector<32x1xi32>)  : i32 {
      %add3A_161 = arith.addi %scan3A_159, %scan3A_160 : vector<32x1xi32>
      %jit3A_162 = arith.constant 2 : i32
      %div3A = vector.broadcast %jit3A_162 : i32 to vector<32x1xi32>
      %div3A_163 = arith.divsi %add3A_161, %div3A : vector<32x1xi32>
      %sign3A = arith.constant 0 : i32
      %sign3A_164 = vector.broadcast %sign3A : i32 to vector<32x1xi32>
      %sign3A_165 = arith.cmpi sgt, %add3A_161, %sign3A_164 : vector<32x1xi32>
      %sign3A_166 = arith.extui %sign3A_165 : vector<32x1xi1> to vector<32x1xi32>
      %sign3A_167 = arith.constant 0 : i32
      %sign3A_168 = vector.broadcast %sign3A_167 : i32 to vector<32x1xi32>
      %sign3A_169 = arith.cmpi slt, %add3A_161, %sign3A_168 : vector<32x1xi32>
      %sign3A_170 = arith.extui %sign3A_169 : vector<32x1xi1> to vector<32x1xi32>
      %sign3A_171 = arith.subi %sign3A_166, %sign3A_170 : vector<32x1xi32>
      %sign3A_172 = arith.constant 0 : i32
      %sign3A_173 = arith.cmpi sgt, %jit3A_162, %sign3A_172 : i32
      %sign3A_174 = arith.extui %sign3A_173 : i1 to i32
      %sign3A_175 = arith.constant 0 : i32
      %sign3A_176 = arith.cmpi slt, %jit3A_162, %sign3A_175 : i32
      %sign3A_177 = arith.extui %sign3A_176 : i1 to i32
      %sign3A_178 = arith.subi %sign3A_174, %sign3A_177 : i32
      %ne3A = vector.broadcast %sign3A_178 : i32 to vector<32x1xi32>
      %ne3A_179 = arith.cmpi ne, %sign3A_171, %ne3A : vector<32x1xi32>
      %rem3A = vector.broadcast %jit3A_162 : i32 to vector<32x1xi32>
      %rem3A_180 = arith.remsi %add3A_161, %rem3A : vector<32x1xi32>
      %ne3A_181 = arith.constant 0 : i32
      %ne3A_182 = vector.broadcast %ne3A_181 : i32 to vector<32x1xi32>
      %ne3A_183 = arith.cmpi ne, %rem3A_180, %ne3A_182 : vector<32x1xi32>
      %and3A_184 = arith.andi %ne3A_179, %ne3A_183 : vector<32x1xi1>
      %sub3A_185 = arith.constant 1 : i32
      %sub3A_186 = vector.broadcast %sub3A_185 : i32 to vector<32x1xi32>
      %sub3A_187 = arith.subi %div3A_163, %sub3A_186 : vector<32x1xi32>
      %select_n3A_188 = arith.select %and3A_184, %sub3A_187, %div3A_163 : vector<32x1xi1>, vector<32x1xi32>
      %lt3A_189 = vector.broadcast %iota3A : vector<1x16384xi32> to vector<32x16384xi32>
      %lt3A_190 = vector.broadcast %select_n3A_188 : vector<32x1xi32> to vector<32x16384xi32>
      %lt3A_191 = arith.cmpi slt, %lt3A_189, %lt3A_190 : vector<32x16384xi32>
      %jit3A_192 = arith.constant 0.000000e+00 : f32
      %broadcast_in_dim3A_193 = vector.broadcast %jit3A_192 : f32 to vector<32x16384xf32>
      %select_n3A_194 = arith.select %lt3A_191, %select_n3A, %broadcast_in_dim3A_193 : vector<32x16384xi1>, vector<32x16384xf32>
      %reduce_sum3A = arith.constant dense<0.000000e+00> : vector<32xf32>
      %reduce_sum3A_195 = vector.multi_reduction <add>, %select_n3A_194, %reduce_sum3A [1] : vector<32x16384xf32> to vector<32xf32>
      %broadcast_in_dim3A_196 = vector.shape_cast %reduce_sum3A_195 : vector<32xf32> to vector<32x1xf32>
      %le3A_197 = arith.constant 5.120000e+02 : f32
      %le3A_198 = vector.broadcast %le3A_197 : f32 to vector<32x1xf32>
      %le3A_199 = arith.cmpf ole, %broadcast_in_dim3A_196, %le3A_198 : vector<32x1xf32>
      %select_n3A_200 = arith.select %le3A_199, %select_n3A_188, %scan3A_159 : vector<32x1xi1>, vector<32x1xi32>
      %select_n3A_201 = arith.select %le3A_199, %scan3A_160, %select_n3A_188 : vector<32x1xi1>, vector<32x1xi32>
      scf.yield %select_n3A_200, %select_n3A_201 : vector<32x1xi32>, vector<32x1xi32>
    }
    %lt3A_101 = vector.broadcast %iota3A : vector<1x16384xi32> to vector<32x16384xi32>
    %lt3A_102 = vector.broadcast %scan3A_100#0 : vector<32x1xi32> to vector<32x16384xi32>
    %lt3A_103 = arith.cmpi slt, %lt3A_101, %lt3A_102 : vector<32x16384xi32>
    %and3A_104 = arith.andi %and3A_63, %lt3A_103 : vector<32x16384xi1>
    %jit3A_105 = arith.constant 0xFF800000 : f32
    %broadcast_in_dim3A_106 = vector.shape_cast %get3A_22 : vector<1x16384xf32> to vector<1x16384xf32>
    %broadcast_in_dim3A_107 = vector.broadcast %broadcast_in_dim3A_106 : vector<1x16384xf32> to vector<32x16384xf32>
    %broadcast_in_dim3A_108 = vector.broadcast %jit3A_105 : f32 to vector<32x16384xf32>
    %select_n3A_109 = arith.select %and3A_104, %broadcast_in_dim3A_107, %broadcast_in_dim3A_108 : vector<32x16384xi1>, vector<32x16384xf32>
    %jit3A_110 = arith.constant 1.000000e+00 : f32
    %jit3A_111 = arith.constant 0.000000e+00 : f32
    %broadcast_in_dim3A_112 = vector.broadcast %jit3A_110 : f32 to vector<32x16384xf32>
    %broadcast_in_dim3A_113 = vector.broadcast %jit3A_111 : f32 to vector<32x16384xf32>
    %select_n3A_114 = arith.select %and3A_104, %broadcast_in_dim3A_112, %broadcast_in_dim3A_113 : vector<32x16384xi1>, vector<32x16384xf32>
    %reduce_max3A = arith.constant dense<0xFF800000> : vector<32xf32>
    %reduce_max3A_115 = vector.multi_reduction <maximumf>, %select_n3A_114, %reduce_max3A [1] : vector<32x16384xf32> to vector<32xf32>
    %broadcast_in_dim3A_116 = vector.shape_cast %reduce_max3A_115 : vector<32xf32> to vector<32x1xf32>
    %gt3A_117 = arith.constant 0.000000e+00 : f32
    %gt3A_118 = vector.broadcast %gt3A_117 : f32 to vector<32x1xf32>
    %gt3A_119 = arith.cmpf ogt, %broadcast_in_dim3A_116, %gt3A_118 : vector<32x1xf32>
    %iota3A_120 = tpu.iota {dimensions = array<i32: 1>} : vector<32x128xi32>
    %broadcast_in_dim3A_121 = arith.constant 0 : i32
    %broadcast_in_dim3A_122 = vector.broadcast %broadcast_in_dim3A_121 : i32 to vector<32x128xi32>
    %broadcast_in_dim3A_123 = arith.constant 0 : i32
    %broadcast_in_dim3A_124 = vector.broadcast %broadcast_in_dim3A_123 : i32 to vector<32x1xi32>
    %scan3A_125 = arith.constant 0 : i32
    %scan3A_126 = arith.constant 32 : i32
    %scan3A_127 = arith.addi %scan3A_125, %scan3A_126 : i32
    %scan3A_128 = arith.constant 1 : i32
    %scan3A_129:3 = scf.for %scan3A_158 = %scan3A_125 to %scan3A_127 step %scan3A_128 iter_args(%scan3A_159 = %select_n3A_109, %scan3A_160 = %broadcast_in_dim3A_122, %scan3A_161 = %broadcast_in_dim3A_124) -> (vector<32x16384xf32>, vector<32x128xi32>, vector<32x1xi32>)  : i32 {
      %reduce_max3A_162 = arith.constant dense<0xFF800000> : vector<32xf32>
      %reduce_max3A_163 = vector.multi_reduction <maximumf>, %scan3A_159, %reduce_max3A_162 [1] : vector<32x16384xf32> to vector<32xf32>
      %broadcast_in_dim3A_164 = vector.shape_cast %reduce_max3A_163 : vector<32xf32> to vector<32x1xf32>
      %ge3A = vector.broadcast %broadcast_in_dim3A_164 : vector<32x1xf32> to vector<32x16384xf32>
      %ge3A_165 = arith.cmpf oge, %scan3A_159, %ge3A : vector<32x16384xf32>
      %jit3A_166 = arith.constant 16384 : i32
      %broadcast_in_dim3A_167 = vector.shape_cast %iota3A : vector<1x16384xi32> to vector<1x16384xi32>
      %broadcast_in_dim3A_168 = vector.broadcast %broadcast_in_dim3A_167 : vector<1x16384xi32> to vector<32x16384xi32>
      %broadcast_in_dim3A_169 = vector.broadcast %jit3A_166 : i32 to vector<32x16384xi32>
      %select_n3A_170 = arith.select %ge3A_165, %broadcast_in_dim3A_168, %broadcast_in_dim3A_169 : vector<32x16384xi1>, vector<32x16384xi32>
      %reduce_min3A_171 = arith.constant dense<2147483647> : vector<32xi32>
      %reduce_min3A_172 = vector.multi_reduction <minsi>, %select_n3A_170, %reduce_min3A_171 [1] : vector<32x16384xi32> to vector<32xi32>
      %broadcast_in_dim3A_173 = vector.shape_cast %reduce_min3A_172 : vector<32xi32> to vector<32x1xi32>
      %gt3A_174 = arith.constant 0xFF800000 : f32
      %gt3A_175 = vector.broadcast %gt3A_174 : f32 to vector<32x1xf32>
      %gt3A_176 = arith.cmpf ogt, %broadcast_in_dim3A_164, %gt3A_175 : vector<32x1xf32>
      %eq3A = arith.constant 0 : i32
      %eq3A_177 = arith.cmpi eq, %scan3A_158, %eq3A : i32
      %select_n3A_178 = arith.select %eq3A_177, %broadcast_in_dim3A_173, %scan3A_161 : vector<32x1xi32>
      %select_n3A_179 = arith.select %gt3A_176, %broadcast_in_dim3A_173, %select_n3A_178 : vector<32x1xi1>, vector<32x1xi32>
      %eq3A_180 = vector.broadcast %scan3A_158 : i32 to vector<32x128xi32>
      %eq3A_181 = arith.cmpi eq, %iota3A_120, %eq3A_180 : vector<32x128xi32>
      %broadcast_in_dim3A_182 = vector.shape_cast %select_n3A_179 : vector<32x1xi32> to vector<32x1xi32>
      %broadcast_in_dim3A_183 = vector.broadcast %broadcast_in_dim3A_182 : vector<32x1xi32> to vector<32x128xi32>
      %select_n3A_184 = arith.select %eq3A_181, %broadcast_in_dim3A_183, %scan3A_160 : vector<32x128xi1>, vector<32x128xi32>
      %eq3A_185 = vector.broadcast %iota3A : vector<1x16384xi32> to vector<32x16384xi32>
      %eq3A_186 = vector.broadcast %broadcast_in_dim3A_173 : vector<32x1xi32> to vector<32x16384xi32>
      %eq3A_187 = arith.cmpi eq, %eq3A_185, %eq3A_186 : vector<32x16384xi32>
      %jit3A_188 = arith.constant 0xFF800000 : f32
      %broadcast_in_dim3A_189 = vector.broadcast %jit3A_188 : f32 to vector<32x16384xf32>
      %select_n3A_190 = arith.select %eq3A_187, %broadcast_in_dim3A_189, %scan3A_159 : vector<32x16384xi1>, vector<32x16384xf32>
      scf.yield %select_n3A_190, %select_n3A_184, %select_n3A_178 : vector<32x16384xf32>, vector<32x128xi32>, vector<32x1xi32>
    }
    %scan3A_130 = arith.constant 32 : i32
    %jit3A_131 = arith.constant 0 : i32
    %broadcast_in_dim3A_132 = vector.shape_cast %gt3A_119 : vector<32x1xi1> to vector<32x1xi1>
    %broadcast_in_dim3A_133 = vector.broadcast %broadcast_in_dim3A_132 : vector<32x1xi1> to vector<32x128xi1>
    %broadcast_in_dim3A_134 = vector.broadcast %jit3A_131 : i32 to vector<32x128xi32>
    %select_n3A_135 = arith.select %broadcast_in_dim3A_133, %scan3A_129#1, %broadcast_in_dim3A_134 : vector<32x128xi1>, vector<32x128xi32>
    %mul3A_136 = arith.constant 16384 : i32
    %mul3A_137 = arith.muli %arg0, %mul3A_136 : i32
    %add3A_138 = vector.broadcast %mul3A_137 : i32 to vector<32x128xi32>
    %add3A_139 = arith.addi %select_n3A_135, %add3A_138 : vector<32x128xi32>
    %swap3A = arith.constant 0 : index
    %swap3A_140 = arith.constant 0 : index
    %swap3A_141 = arith.constant 0 : index
    %swap3A_142 = vector.load %arg6[%swap3A, %swap3A_140, %swap3A_141] : memref<1x32x128xi32, #tpu.memory_space<vmem>>, vector<1x32x128xi32>
    %swap3A_143 = vector.shape_cast %swap3A_142 : vector<1x32x128xi32> to vector<32x128xi32>
    %swap3A_144 = vector.shape_cast %add3A_139 : vector<32x128xi32> to vector<1x32x128xi32>
    tpu.vector_store %arg6[%swap3A, %swap3A_140, %swap3A_141], %swap3A_144 {strides = array<i32>} : memref<1x32x128xi32, #tpu.memory_space<vmem>>, vector<1x32x128xi32>,
    %jit3A_145 = arith.constant 1.000000e+00 : f32
    %jit3A_146 = arith.constant 0.000000e+00 : f32
    %broadcast_in_dim3A_147 = vector.broadcast %jit3A_145 : f32 to vector<32x1xf32>
    %broadcast_in_dim3A_148 = vector.broadcast %jit3A_146 : f32 to vector<32x1xf32>
    %select_n3A_149 = arith.select %gt3A_119, %broadcast_in_dim3A_147, %broadcast_in_dim3A_148 : vector<32x1xi1>, vector<32x1xf32>
    %broadcast_in_dim3A_150 = vector.shape_cast %select_n3A_149 : vector<32x1xf32> to vector<32x1xf32>
    %broadcast_in_dim3A_151 = vector.broadcast %broadcast_in_dim3A_150 : vector<32x1xf32> to vector<32x128xf32>
    %swap3A_152 = arith.constant 0 : index
    %swap3A_153 = arith.constant 0 : index
    %swap3A_154 = arith.constant 0 : index
    %swap3A_155 = vector.load %arg7[%swap3A_152, %swap3A_153, %swap3A_154] : memref<1x32x128xf32, #tpu.memory_space<vmem>>, vector<1x32x128xf32>
    %swap3A_156 = vector.shape_cast %swap3A_155 : vector<1x32x128xf32> to vector<32x128xf32>
    %swap3A_157 = vector.shape_cast %broadcast_in_dim3A_151 : vector<32x128xf32> to vector<1x32x128xf32>
    tpu.vector_store %arg7[%swap3A_152, %swap3A_153, %swap3A_154], %swap3A_157 {strides = array<i32>} : memref<1x32x128xf32, #tpu.memory_space<vmem>>, vector<1x32x128xf32>,
    return
  }
  func.func @transform_0(%arg0: i32, %arg1: i32) -> i32 {
    %c0_i32 = arith.constant 0 : i32
    %c0_i32_0 = arith.constant 0 : i32
    return %c0_i32 : i32
  }
  func.func @transform_1(%arg0: i32, %arg1: i32) -> i32 {
    %c0_i32 = arith.constant 0 : i32
    %c0_i32_0 = arith.constant 0 : i32
    return %c0_i32 : i32
  }
  func.func @transform_2(%arg0: i32, %arg1: i32) -> (i32, i32, i32) {
    %c0_i32 = arith.constant 0 : i32
    %c0_i32_0 = arith.constant 0 : i32
    %c0_i32_1 = arith.constant 0 : i32
    return %arg0, %c0_i32, %c0_i32_0 : i32, i32, i32
  }
  func.func @transform_3(%arg0: i32, %arg1: i32) -> (i32, i32, i32) {
    %c0_i32 = arith.constant 0 : i32
    %c0_i32_0 = arith.constant 0 : i32
    return %arg0, %arg1, %c0_i32 : i32, i32, i32
  }
  func.func @transform_4(%arg0: i32, %arg1: i32) -> (i32, i32, i32) {
    %c0_i32 = arith.constant 0 : i32
    %c0_i32_0 = arith.constant 0 : i32
    return %arg0, %arg1, %c0_i32 : i32, i32, i32
  }
  func.func @transform_5(%arg0: i32, %arg1: i32) -> (i32, i32, i32) {
    %c0_i32 = arith.constant 0 : i32
    %c0_i32_0 = arith.constant 0 : i32
    return %arg0, %arg1, %c0_i32 : i32, i32, i32
  }
}

module attributes {stable_mosaic.version = 14 : i64} {
  func.func @_final_body(%arg0: i32, %arg1: memref<1x128x128xf32, #tpu.memory_space<vmem>>, %arg2: memref<1x128x128xf32, #tpu.memory_space<vmem>>, %arg3: memref<1x128x128xf32, #tpu.memory_space<vmem>>, %arg4: memref<1x128x128xf32, #tpu.memory_space<vmem>>, %arg5: memref<1x8x128xi32, #tpu.memory_space<vmem>>) attributes {dimension_semantics = [#tpu.dimension_semantics<arbitrary>], iteration_bounds = array<i64: 4>, scalar_prefetch = 0 : i64, scratch_operands = 0 : i64, tpu.core_type = #tpu.core_type<tc>, window_params = [{transform_indices = @transform_0, window_bounds = array<i64: 1, 128, 128>}, {transform_indices = @transform_1, window_bounds = array<i64: 1, 128, 128>}, {transform_indices = @transform_2, window_bounds = array<i64: 1, 128, 128>}, {transform_indices = @transform_3, window_bounds = array<i64: 1, 128, 128>}, {transform_indices = @transform_4, window_bounds = array<i64: 1, 8, 128>}]} {
    %get3A = arith.constant 0 : index
    %get3A_0 = arith.constant 0 : index
    %get3A_1 = arith.constant 0 : index
    %get3A_2 = vector.load %arg1[%get3A, %get3A_0, %get3A_1] : memref<1x128x128xf32, #tpu.memory_space<vmem>>, vector<1x128x128xf32>
    %get3A_3 = vector.shape_cast %get3A_2 : vector<1x128x128xf32> to vector<128x128xf32>
    %get3A_4 = arith.constant 0 : index
    %get3A_5 = arith.constant 0 : index
    %get3A_6 = arith.constant 0 : index
    %get3A_7 = vector.load %arg3[%get3A_4, %get3A_5, %get3A_6] : memref<1x128x128xf32, #tpu.memory_space<vmem>>, vector<1x128x128xf32>
    %get3A_8 = vector.shape_cast %get3A_7 : vector<1x128x128xf32> to vector<128x128xf32>
    %get3A_9 = arith.constant 0 : index
    %get3A_10 = arith.constant 0 : index
    %get3A_11 = arith.constant 0 : index
    %get3A_12 = vector.load %arg2[%get3A_9, %get3A_10, %get3A_11] : memref<1x128x128xf32, #tpu.memory_space<vmem>>, vector<1x128x128xf32>
    %get3A_13 = vector.shape_cast %get3A_12 : vector<1x128x128xf32> to vector<128x128xf32>
    %slice3A = vector.extract_strided_slice %get3A_13 {offsets = [0, 0], sizes = [128, 1], strides = [1, 1]} : vector<128x128xf32> to vector<128x1xf32>
    %get3A_14 = arith.constant 0 : index
    %get3A_15 = arith.constant 0 : index
    %get3A_16 = arith.constant 0 : index
    %get3A_17 = vector.load %arg2[%get3A_14, %get3A_15, %get3A_16] : memref<1x128x128xf32, #tpu.memory_space<vmem>>, vector<1x128x128xf32>
    %get3A_18 = vector.shape_cast %get3A_17 : vector<1x128x128xf32> to vector<128x128xf32>
    %slice3A_19 = vector.extract_strided_slice %get3A_18 {offsets = [0, 1], sizes = [128, 1], strides = [1, 1]} : vector<128x128xf32> to vector<128x1xf32>
    %get3A_20 = arith.constant 0 : index
    %get3A_21 = arith.constant 0 : index
    %get3A_22 = arith.constant 0 : index
    %get3A_23 = vector.load %arg2[%get3A_20, %get3A_21, %get3A_22] : memref<1x128x128xf32, #tpu.memory_space<vmem>>, vector<1x128x128xf32>
    %get3A_24 = vector.shape_cast %get3A_23 : vector<1x128x128xf32> to vector<128x128xf32>
    %slice3A_25 = vector.extract_strided_slice %get3A_24 {offsets = [0, 2], sizes = [128, 1], strides = [1, 1]} : vector<128x128xf32> to vector<128x1xf32>
    %iota3A = tpu.iota {dimensions = array<i32: 1>} : vector<128x128xi32>
    %and3A = arith.constant 3 : i32
    %and3A_26 = vector.broadcast %and3A : i32 to vector<128x128xi32>
    %and3A_27 = arith.andi %iota3A, %and3A_26 : vector<128x128xi32>
    %eq3A = arith.constant 0 : i32
    %eq3A_28 = vector.broadcast %eq3A : i32 to vector<128x128xi32>
    %eq3A_29 = arith.cmpi eq, %and3A_27, %eq3A_28 : vector<128x128xi32>
    %eq3A_30 = arith.constant 1 : i32
    %eq3A_31 = vector.broadcast %eq3A_30 : i32 to vector<128x128xi32>
    %eq3A_32 = arith.cmpi eq, %and3A_27, %eq3A_31 : vector<128x128xi32>
    %eq3A_33 = arith.constant 2 : i32
    %eq3A_34 = vector.broadcast %eq3A_33 : i32 to vector<128x128xi32>
    %eq3A_35 = arith.cmpi eq, %and3A_27, %eq3A_34 : vector<128x128xi32>
    %jit3A = arith.constant 0.000000e+00 : f32
    %broadcast_in_dim3A = vector.shape_cast %slice3A_25 : vector<128x1xf32> to vector<128x1xf32>
    %broadcast_in_dim3A_36 = vector.broadcast %broadcast_in_dim3A : vector<128x1xf32> to vector<128x128xf32>
    %broadcast_in_dim3A_37 = vector.broadcast %jit3A : f32 to vector<128x128xf32>
    %select_n3A = arith.select %eq3A_35, %broadcast_in_dim3A_36, %broadcast_in_dim3A_37 : vector<128x128xi1>, vector<128x128xf32>
    %broadcast_in_dim3A_38 = vector.shape_cast %slice3A_19 : vector<128x1xf32> to vector<128x1xf32>
    %broadcast_in_dim3A_39 = vector.broadcast %broadcast_in_dim3A_38 : vector<128x1xf32> to vector<128x128xf32>
    %select_n3A_40 = arith.select %eq3A_32, %broadcast_in_dim3A_39, %select_n3A : vector<128x128xi1>, vector<128x128xf32>
    %broadcast_in_dim3A_41 = vector.shape_cast %slice3A : vector<128x1xf32> to vector<128x1xf32>
    %broadcast_in_dim3A_42 = vector.broadcast %broadcast_in_dim3A_41 : vector<128x1xf32> to vector<128x128xf32>
    %select_n3A_43 = arith.select %eq3A_29, %broadcast_in_dim3A_42, %select_n3A_40 : vector<128x128xi1>, vector<128x128xf32>
    %mul3A = arith.mulf %get3A_3, %get3A_8 : vector<128x128xf32>
    %sub3A = arith.subf %mul3A, %select_n3A_43 : vector<128x128xf32>
    %mul3A_44 = arith.constant 4.000000e+00 : f32
    %mul3A_45 = vector.broadcast %mul3A_44 : f32 to vector<128x128xf32>
    %mul3A_46 = arith.mulf %sub3A, %mul3A_45 : vector<128x128xf32>
    %swap3A = arith.constant 0 : index
    %swap3A_47 = arith.constant 0 : index
    %swap3A_48 = arith.constant 0 : index
    %swap3A_49 = vector.load %arg4[%swap3A, %swap3A_47, %swap3A_48] : memref<1x128x128xf32, #tpu.memory_space<vmem>>, vector<1x128x128xf32>
    %swap3A_50 = vector.shape_cast %swap3A_49 : vector<1x128x128xf32> to vector<128x128xf32>
    %swap3A_51 = vector.shape_cast %mul3A_46 : vector<128x128xf32> to vector<1x128x128xf32>
    tpu.vector_store %arg4[%swap3A, %swap3A_47, %swap3A_48], %swap3A_51 {strides = array<i32>} : memref<1x128x128xf32, #tpu.memory_space<vmem>>, vector<1x128x128xf32>,
    %slice3A_52 = vector.extract_strided_slice %get3A_8 {offsets = [0, 0], sizes = [128, 1], strides = [1, 1]} : vector<128x128xf32> to vector<128x1xf32>
    %reduce_sum3A = vector.shape_cast %slice3A_52 : vector<128x1xf32> to vector<1x128x1xf32>
    %reduce_sum3A_53 = arith.constant dense<0.000000e+00> : vector<1xf32>
    %reduce_sum3A_54 = vector.multi_reduction <add>, %reduce_sum3A, %reduce_sum3A_53 [1, 2] : vector<1x128x1xf32> to vector<1xf32>
    %reduce_sum3A_55 = vector.shape_cast %reduce_sum3A_54 : vector<1xf32> to vector<1x1x1xf32>
    %reduce_sum3A_56 = vector.extract %reduce_sum3A_55[0, 0, 0] : f32 from vector<1x1x1xf32>
    %convert_element_type3A = arith.fptosi %reduce_sum3A_56 : f32 to i32
    %iota3A_57 = tpu.iota {dimensions = array<i32: 1>} : vector<8x128xi32>
    %lt3A = vector.broadcast %convert_element_type3A : i32 to vector<8x128xi32>
    %lt3A_58 = arith.cmpi slt, %iota3A_57, %lt3A : vector<8x128xi32>
    %jit3A_59 = arith.constant 1 : i32
    %jit3A_60 = arith.constant 0 : i32
    %broadcast_in_dim3A_61 = vector.broadcast %jit3A_59 : i32 to vector<8x128xi32>
    %broadcast_in_dim3A_62 = vector.broadcast %jit3A_60 : i32 to vector<8x128xi32>
    %select_n3A_63 = arith.select %lt3A_58, %broadcast_in_dim3A_61, %broadcast_in_dim3A_62 : vector<8x128xi1>, vector<8x128xi32>
    %swap3A_64 = arith.constant 0 : index
    %swap3A_65 = arith.constant 0 : index
    %swap3A_66 = arith.constant 0 : index
    %swap3A_67 = vector.load %arg5[%swap3A_64, %swap3A_65, %swap3A_66] : memref<1x8x128xi32, #tpu.memory_space<vmem>>, vector<1x8x128xi32>
    %swap3A_68 = vector.shape_cast %swap3A_67 : vector<1x8x128xi32> to vector<8x128xi32>
    %swap3A_69 = vector.shape_cast %select_n3A_63 : vector<8x128xi32> to vector<1x8x128xi32>
    tpu.vector_store %arg5[%swap3A_64, %swap3A_65, %swap3A_66], %swap3A_69 {strides = array<i32>} : memref<1x8x128xi32, #tpu.memory_space<vmem>>, vector<1x8x128xi32>,
    return
  }
  func.func @transform_0(%arg0: i32) -> (i32, i32, i32) {
    %c0_i32 = arith.constant 0 : i32
    %c0_i32_0 = arith.constant 0 : i32
    %c0_i32_1 = arith.constant 0 : i32
    return %arg0, %c0_i32, %c0_i32_0 : i32, i32, i32
  }
  func.func @transform_1(%arg0: i32) -> (i32, i32, i32) {
    %c0_i32 = arith.constant 0 : i32
    %c0_i32_0 = arith.constant 0 : i32
    %c0_i32_1 = arith.constant 0 : i32
    return %arg0, %c0_i32, %c0_i32_0 : i32, i32, i32
  }
  func.func @transform_2(%arg0: i32) -> (i32, i32, i32) {
    %c0_i32 = arith.constant 0 : i32
    %c0_i32_0 = arith.constant 0 : i32
    %c0_i32_1 = arith.constant 0 : i32
    return %arg0, %c0_i32, %c0_i32_0 : i32, i32, i32
  }
  func.func @transform_3(%arg0: i32) -> (i32, i32, i32) {
    %c0_i32 = arith.constant 0 : i32
    %c0_i32_0 = arith.constant 0 : i32
    %c0_i32_1 = arith.constant 0 : i32
    return %arg0, %c0_i32, %c0_i32_0 : i32, i32, i32
  }
  func.func @transform_4(%arg0: i32) -> (i32, i32, i32) {
    %c0_i32 = arith.constant 0 : i32
    %c0_i32_0 = arith.constant 0 : i32
    %c0_i32_1 = arith.constant 0 : i32
    return %arg0, %c0_i32, %c0_i32_0 : i32, i32, i32
  }
}

</mosaic_0001>

<sc_bundles>
// kernel: kernel.6.cloned.1.call-start
scs
__scs_entry_jumppad:
0x0: {  	(pc) =	sbr.rel $0x88, $3  }
0x1: {  	(tag) =	ssettag $0x0;
	lr =	simm.s32 $0x1  }
0x2: {  	[smem:$0x3F9F] =	sst lr;
	_ =	strace $0xD0000000  }
0x3: {  	_ = 	snop  }
0x4: {  	_ = 	snop  }
0x5: {  	_ = 	snop  }
0x6: {  	_ = 	snop  }
0x7: {  	_ = 	snop  }
__scs_overlays_trampoline_lowered:
0x8: {  	[smem:$0x3FAE] =	sst s0  }
0x9: {  	[smem:$0x3FAF] =	sst s1  }
0xa: {  	[smem:$0x3FB0] =	sst s2  }
0xb: {  	[smem:$0x3FB1] =	sst s3  }
0xc: {  	[smem:$0x3FB2] =	sst s4  }
0xd: {  	[smem:$0x3FB3] =	sst s5  }
0xe: {  	[smem:$0x3FB4] =	sst s6  }
0xf: {  	[smem:$0x3FB5] =	sst s7  }
0x10: {  	[smem:$0x3FB6] =	sst s8  }
0x11: {  	[smem:$0x3FB7] =	sst s9;
	s0 =	simm.s32 @!p0 $0x0  }
0x12: {  	s1 =	sld [smem:$0x3F9D];
	s0 =	simm.s32 @p0 $0x1  }
0x13: {  	[smem:$0x3FB8] =	sst s0;
	s0 =	simm.s32 @!p1 $0x0  }
0x14: {  	s2 =	sld [smem:$0x3F9C];
	s0 =	simm.s32 @p1 $0x1  }
0x15: {  	[smem:$0x3FB9] =	sst s0;
	s0 =	simm.s32 @!p2 $0x0  }
0x16: {  	s3 =	sld [smem:$0x3FDB];
	s0 =	simm.s32 @p2 $0x1  }
0x17: {  	s4 =	simm.s32 $0x1BF5;
	[smem:$0x3FBB] =	sst s0  }
0x18: {  	s0 =	sld [smem:$0x3F9E];
	_ =	swait.ge [sflag:s4], $0x0  }
0x19: {  	s7 =	sld [smem:$0x3F9F]  }
0x1a: {  	s8 =	sadd.s32 $0xFFFFE003, lr  }
0x1b: {  	s9 =	sadd.s32 $0xFFFFFEF7, lr;
	s5 =	simm.s32 $0xFFFFFFFF;
	p2 =	slt.u32 s8, $0xFFFFF086  }
0x1c: {  	p1 =	slt.u32 s9, $0xF7A;
	s5 =	simm.s32 @!p2 $0x0  }
0x1d: {  	s5 =	simm.s32 @p1 $0x1;
	p0 =	seq.s32 s7, s2  }
0x1e: {  	s7 =	smul.u32 @!p0 $0xF7A, s2;
	p2 =	seq.s32 @!p0 s5, $0x0  }
0x1f: {  	s9 =	smul.u32 $0xF7A, s1;
	s8 =	simm.s32 @!p0 $0x1BF5;
	p2 =	por !p2, p0  }
0x20: {  	[sflag:s8] =	ssyncset.s32 @!p0 $0xFFFFF086;
	s6 =	sadd.s32 @!p0 s3, s7;
	s7 =	simm.s32 @!p0 $0x108  }
0x21: {  	s3 =	sadd.s32 s3, s9;
	s6 =	sadd.s32 @!p0 $0x88, s6;
	s7 =	simm.s32 @p2 $0x1082  }
0x22: {  	[simem:s7], [sflag:s8] =	dma.local @!p0 [hbm:s6], $0xF7A  }
0x23: {  	s9 =	sor.u32 $0xD0000000, s2;
	s6 =	simm.s32 $0x108;
	_ =	swait.ge @!p0 [sflag:s8], $0x0  }
0x24: {  	s3 =	sadd.s32 $0x88, s3;
	s6 =	simm.s32 @!p1 $0x1082;
	[sflag:s4] =	ssyncset.s32 $0xFFFFF086  }
0x25: {  	[simem:s6], [sflag:s4] =	dma.local [hbm:s3], $0xF7A  }
0x26: {  	[smem:$0x3F9F] =	sst s1;
	(tag) =	ssettag s2;
	_ =	strace s9  }
0x27: {  	s1 =	sld [smem:$0x3FAF]  }
0x28: {  	s2 =	sld [smem:$0x3FB0]  }
0x29: {  	s4 =	sld [smem:$0x3FB2]  }
0x2a: {  	p0 =	seq.s32 s5, $0x0;
	s5 =	sld [smem:$0x3FB3]  }
0x2b: {  	s6 =	sld [smem:$0x3FB4]  }
0x2c: {  	s7 =	sld [smem:$0x3FB5]  }
0x2d: {  	s3 =	simm.s32 $0x108;
	s8 =	sld [smem:$0x3FB6]  }
0x2e: {  	s3 =	simm.s32 @!p0 $0x1082;
	s9 =	sld [smem:$0x3FB7]  }
0x2f: {  	lr =	sadd.s32 s0, s3;
	s0 =	sld [smem:$0x3FAE]  }
0x30: {  	s3 =	sld [smem:$0x3FB1]  }
0x31: {  	[smem:$0x3FBA] =	sst s10  }
0x32: {  	s10 =	sld [smem:$0x3FB8];
	_ =	sdelay $0x3  }
0x33: {  	p0 =	seq.s32 s10, $0x1;
	s10 =	sld [smem:$0x3FBA];
	_ =	sdelay $0x3  }
0x34: {  	[smem:$0x3FBA] =	sst s10  }
0x35: {  	s10 =	sld [smem:$0x3FB9];
	_ =	sdelay $0x3  }
0x36: {  	p1 =	seq.s32 s10, $0x1;
	s10 =	sld [smem:$0x3FBA];
	_ =	sdelay $0x3  }
0x37: {  	[smem:$0x3FBA] =	sst s10  }
0x38: {  	s10 =	sld [smem:$0x3FBB]  }
0x39: {  	_ = 	snop;
	(pc) =	sbr.ind lr, $3  }
0x3a: {  	_ = 	snop  }
0x3b: {  	_ = 	snop  }
0x3c: {  	p2 =	seq.s32 s10, $0x1;
	s10 =	sld [smem:$0x3FBA]  }
0x3d: {  	_ =	shalt  }
0x3e: {  	_ =	shalt  }
0x3f: {  	_ =	shalt  }
0x40: {  	_ =	shalt  }
0x41: {  	_ =	shalt  }
0x42: {  	_ =	shalt  }
0x43: {  	_ =	shalt  }
0x44: {  	_ =	shalt  }
0x45: {  	_ =	shalt  }
0x46: {  	_ =	shalt  }
0x47: {  	_ =	shalt  }
0x48: {  	_ =	shalt  }
0x49: {  	_ =	shalt  }
0x4a: {  	_ =	shalt  }
0x4b: {  	_ =	shalt  }
0x4c: {  	_ =	shalt  }
0x4d: {  	_ =	shalt  }
0x4e: {  	_ =	shalt  }
0x4f: {  	_ =	shalt  }
0x50: {  	_ =	shalt  }
0x51: {  	_ =	shalt  }
0x52: {  	_ =	shalt  }
0x53: {  	_ =	shalt  }
0x54: {  	_ =	shalt  }
0x55: {  	_ =	shalt  }
0x56: {  	_ =	shalt  }
0x57: {  	_ =	shalt  }
0x58: {  	_ =	shalt  }
0x59: {  	_ =	shalt  }
0x5a: {  	_ =	shalt  }
0x5b: {  	_ =	shalt  }
0x5c: {  	_ =	shalt  }
0x5d: {  	_ =	shalt  }
0x5e: {  	_ =	shalt  }
0x5f: {  	_ =	shalt  }
0x60: {  	_ =	shalt  }
0x61: {  	_ =	shalt  }
0x62: {  	_ =	shalt  }
0x63: {  	_ =	shalt  }
0x64: {  	_ =	shalt  }
0x65: {  	_ =	shalt  }
0x66: {  	_ =	shalt  }
0x67: {  	_ =	shalt  }
0x68: {  	_ =	shalt  }
0x69: {  	_ =	shalt  }
0x6a: {  	_ =	shalt  }
0x6b: {  	_ =	shalt  }
0x6c: {  	_ =	shalt  }
0x6d: {  	_ =	shalt  }
0x6e: {  	_ =	shalt  }
0x6f: {  	_ =	shalt  }
0x70: {  	_ =	shalt  }
0x71: {  	_ =	shalt  }
0x72: {  	_ =	shalt  }
0x73: {  	_ =	shalt  }
0x74: {  	_ =	shalt  }
0x75: {  	_ =	shalt  }
0x76: {  	_ =	shalt  }
0x77: {  	_ =	shalt  }
0x78: {  	_ =	shalt  }
0x79: {  	_ =	shalt  }
0x7a: {  	_ =	shalt  }
0x7b: {  	_ =	shalt  }
0x7c: {  	_ =	shalt  }
0x7d: {  	_ =	shalt  }
0x7e: {  	_ =	shalt  }
0x7f: {  	_ =	shalt  }
0x80: {  	_ =	shalt  }
0x81: {  	_ =	shalt  }
0x82: {  	_ =	shalt  }
0x83: {  	_ =	shalt  }
0x84: {  	_ =	shalt  }
0x85: {  	_ =	shalt  }
0x86: {  	_ =	shalt  }
0x87: {  	_ =	shalt  }
.Lfunc_end0:
.L_simem_size_0:
called_computation_lowered:
.L_overlay_start_0:
0x88: {  	s2 =	sld [smem:$0x3FD9]  }
0x89: {  	s3 =	sld [smem:$0x3FFE];
	_ =	sdelay $0x1  }
0x8a: {  	s1 =	srdreg.scid  }
0x8b: {  	s0 =	sand.u32 $0x1, s1  }
0x8c: {  	s14 =	sshll.u32 s0, $0xA;
	s2 =	sadd.s32 s3, s2  }
0x8d: {  	s2 =	sadd.s32 s2, s14  }
0x8e: {  	[smem:$0x3FC6] =	sst s2  }
0x8f: {  	_ = 	snop  }
0x90: {  	s2 =	sld [smem:$0x3FD0];
	_ =	sdelay $0x2  }
0x91: {  	s15 =	simm.s32 $0xA;
	s4 =	simm.s32 $0x10  }
0x92: {  	[smem:s4], [sflag:s15] =	dma.local [hbm:s2], $0x1  }
0x93: {  	_ =	swait.eq [sflag:s15], $0x1  }
0x94: {  	[sflag:s15] =	ssyncset.done $0x0  }
0x95: {  	[sflag:s15] =	ssyncadd.s32 $0xFFFFFFFF  }
0x96: {  	s16 =	sld [smem:$0x10];
	(tm) =	ssettm $0x1  }
0x97: {  	s17 =	sld [smem:$0x3FFB];
	_ =	sdelay $0x3  }
0x98: {  	_ =	strace s17  }
0x99: {  	s3 =	sld [smem:$0x3FFC];
	_ =	sdelay $0x3  }
0x9a: {  	_ =	strace s3  }
0x9b: {  	s3 =	sld [smem:$0x3FFD];
	_ =	sdelay $0x3  }
0x9c: {  	_ =	strace s3  }
0x9d: {  	_ =	strace $0x8FFFFFFF  }
0x9e: {  	s18 =	sld [smem:$0x3FDB];
	_ =	sdelay $0x1  }
0x9f: {  	s19 =	simm.s32 $_scs_section_size  }
0xa0: {  	s5 =	simm.s32 $_size__tile_overlayer_lowered;
	s6 =	simm.s32 $_tile_overlayer_lowered  }
0xa1: {  	s22 =	simm.s32 $0x1BFF;
	s21 =	sshll.u32 s6, $0x1;
	s3 =	sadd.s32 s19, s18  }
0xa2: {  	s7 =	simm.s32 $0x0;
	s20 =	sshll.u32 s5, $0x1;
	s5 =	sadd.s32 s21, s3  }
0xa3: {  	[timem:s7], [sflag:s22] =	dma.local [hbm:s5], s20  }
0xa4: {  	_ =	swait.ge [sflag:s22], s20  }
0xa5: {  	s4 =	ssub.s32 $0x0, s20;
	[sflag:s22] =	ssyncset.done $0x0  }
0xa6: {  	[sflag:s22] =	ssyncadd.s32 s4;
	_ =	sdelay $0x1  }
0xa7: {  	s23 =	simm.s32 $0x1B8B  }
0xa8: {  	_ =	swait.ge [sflag:s23], $0x1  }
0xa9: {  	[sflag:s23] =	ssyncset.done $0x0  }
0xaa: {  	s25 =	simm.s32 $0x1B8E;
	s24 =	sld [smem:$0x3FFE];
	[sflag:s23] =	ssyncadd.s32 $0xFFFFFFFF  }
0xab: {  	s26 =	simm.s32 $execute0_lowered;
	[smem:$0x3FD2] =	sst s25  }
0xac: {  	s5 =	sshll.u32 s26, $0x1;
	_ =	strace $0x80000046;
	[dreg:$0x1] =	wrdreg $0xFFFFFFFF  }
0xad: {  	s28 =	simm.s32 $_size_execute0_lowered;
	s3 =	sadd.s32 s3, s5;
	[dreg:$0x0] =	wrdreg $0x0  }
0xae: {  	s5 =	sshll.u32 s28, $0x1;
	[dreg:$0x2] =	wrdreg s3  }
0xaf: {  	[dreg:$0x3] =	wrdreg s5  }
0xb0: {  	[dreg:$0x4] =	wrdreg $0xC0  }
0xb1: {  	_ =	task [dreg:s7], $0x5FFFF  }
0xb2: {  	[dreg:$0x1] =	wrdreg $0xFFFFFFFF  }
0xb3: {  	[dreg:$0x0] =	wrdreg $0x60  }
0xb4: {  	[dreg:$0x2] =	wrdreg s24  }
0xb5: {  	[dreg:$0x3] =	wrdreg s16  }
0xb6: {  	[dreg:$0x4] =	wrdreg $0x9  }
0xb7: {  	_ =	task.clear_ibuf [dreg:s7], $0x5FFFF;
	_ =	strace $0x90000046  }
0xb8: {  	s29 =	simm.s32 $0x9;
	_ =	strace $0x80000048  }
0xb9: {  	_ =	swait.ge [sflag:s29], $0x1  }
0xba: {  	[sflag:s29] =	ssyncadd.s32 $0xFFFFFFFF  }
0xbb: {  	_ =	strace $0x90000048  }
0xbc: {  	_ =	sfence  }
0xbd: {  	s30 =	sld [smem:$0x0];
	_ =	sdelay $0x2  }
0xbe: {  	s31 =	sshll.u32 s1, $0xD;
	s1 =	sshrl.u32 s1, $0x2  }
0xbf: {  	s3 =	sand.u32 $0x4000, s31;
	s1 =	sadd.s32 s1, s30  }
0xc0: {  	s0 =	sor.u32 s3, s0;
	s1 =	sshll.u32 s1, $0x11  }
0xc1: {  	s0 =	sor.u32 s1, s0  }
0xc2: {  	s0 =	sadd.s32 $0x8F2B, s0  }
0xc3: {  	[sflag:s0] =	ssyncadd.remote.s32 $0x1  }
0xc4: {  	_ =	sfence.sel $0xFFFF  }
0xc5: {  	[dreg:$0x0] =	wrdreg $0xFFFFFFFF;
	(pc) =	sbr.abs _section_cstart, $3  }
0xc6: {  	[dreg:$0x1] =	wrdreg $0xFFFFFFFF  }
0xc7: {  	_ =	task.clear_ibuf [dreg:s7], $0x2FFFF;
	_ =	strace $0x9FFFFFFF  }
0xc8: {  	(tm) =	ssettm $0x7FFFFFFF  }
0xc9: {  	_ =	shalt  }
tec
execute0_lowered:
.L_overlay_start_1:
0x0: {  	(tag) =	ssettag $0x1  }
0x1: {  	s14 =	rddreg [dreg:$0x0]  }
0x2: {  	s1 =	srdreg.scid;
	s0 =	stileid.u32  }
0x3: {  	s3 =	rddreg [dreg:$0x1];
	s12 =	sand.u32 $0x1, s1;
	s4 =	sshll.u32 s0, $0x1  }
0x4: {  	s2 =	simm.s32 $0x0;
	s1 =	rddreg [dreg:$0x2];
	s15 =	sor.u32 s12, s4  }
0x5: {  	[smem:$0x7FF] =	sst s2;
	s4 =	sshll.u32 s15, $0x6  }
0x6: {  	_ =	strace $0x80000047;
	s4 =	sadd.s32 s3, s4;
	s3 =	simm.s32 $0x2  }
0x7: {  	[tilespmem:s2], [sflag:$0x2] =	stream.linear.gather [hbm4b:s4+s2], $0x200, $0x38;
	[tilespmem:$0x2200] =	vst v63  }
0x8: {  	_ =	swait.ge [sflag:s3], $0x200  }
0x9: {  	s6 =	simm.s32 $0x80;
	s7 =	simm.s32 $0x200;
	[sflag:s3] =	ssyncset.done $0x0  }
0xa: {  	s8 =	simm.s32 $0x1;
	s5 =	sadd.s32 $0xC00, s14;
	[sflag:s3] =	ssyncadd.s32 $0xFFFFFE00  }
0xb: {  	[tilespmem:s7], [sflag:$0x1] =	stream.indirect.gather [hbm4b:s5+s6], $0x10, s2, s6, $0xb8;
	[tilespmem:$0x2200] =	vst v63  }
0xc: {  	_ =	swait.ge [sflag:s8], $0x800  }
0xd: {  	[sflag:s8] =	ssyncset.done $0x0  }
0xe: {  	s9 =	simm.s32 $0xA00;
	[sflag:s8] =	ssyncadd.s32 $0xFFFFF800  }
0xf: {  	[tilespmem:s9], [sflag:$0x1] =	stream.indirect.gather [hbm4b:s5+s6], $0x10, s6, s6, $0xb8;
	[tilespmem:$0x2200] =	vst v63  }
0x10: {  	_ =	swait.ge [sflag:s8], $0x800  }
0x11: {  	s10 =	simm.s32 $0x100;
	s11 =	simm.s32 $0x1200;
	[sflag:s8] =	ssyncset.done $0x0  }
0x12: {  	s13 =	simm.s32 $0x1A00;
	s16 =	ssub.s32 $0x2, s12;
	[sflag:s8] =	ssyncadd.s32 $0xFFFFF800  }
0x13: {  	[tilespmem:s11], [sflag:$0x1] =	stream.indirect.gather [hbm4b:s5+s6], $0x10, s10, s6, $0xb8;
	[tilespmem:$0x2200] =	vst v63  }
0x14: {  	s12 =	simm.s32 $0x180;
	s17 =	sshrl.u32 s16, $0x1;
	_ =	swait.ge [sflag:s8], $0x800  }
0x15: {  	s15 =	sshll.u32 s15, $0xA;
	s31 =	ssub.s32 s16, s17;
	[sflag:s8] =	ssyncset.done $0x0  }
0x16: {  	s14 =	sadd.s32 s15, s14;
	s15 =	smax.u32 s31, $0x1;
	[sflag:s8] =	ssyncadd.s32 $0xFFFFF800  }
0x17: {  	[tilespmem:s13], [sflag:$0x1] =	stream.indirect.gather [hbm4b:s5+s6], $0x10, s12, s6, $0xb8;
	[tilespmem:$0x2200] =	vst v63  }
0x18: {  	p0 =	sne.s32 s15, $0x1;
	_ =	swait.ge [sflag:s8], $0x800  }
.Ltmp0:
0x19: {  	[sflag:s8] =	ssyncset.done $0x0;
	(pc) =	sbr.rel @!p0 .LBB2_2-.Ltmp0, $4  }
0x1a: {  	s14 =	sadd.s32 $0x20C00, s14;
	[sflag:s8] =	ssyncadd.s32 $0xFFFFF800  }
0x1b: {  	[hbm4b:s14+s2] =	stream.linear.scatter [tilespmem:s7], [sflag:$0x2], $0x2000, $0x38;
	[tilespmem:$0x2200] =	vst v63  }
0x1c: {  	_ =	swait.ge [sflag:s3], $0x2000  }
0x1d: {  	s15 =	sadd.s32 $0xFFFFFFFF, s15;
	[sflag:s3] =	ssyncset.done $0x0  }
.LBB2_1:
0x1e: {  	p0 =	sne.s32 s15, $0x1;
	s15 =	sadd.s32 $0xFFFFFFFF, s15;
	[sflag:s3] =	ssyncadd.s32 $0xFFFFE000  }
0x1f: {  	[tilespmem:s2], [sflag:$0x2] =	stream.linear.gather [hbm4b:s4+s2], $0x200, $0x38;
	[tilespmem:$0x2200] =	vst v63  }
0x20: {  	_ =	swait.ge [sflag:s3], $0x200  }
0x21: {  	[sflag:s3] =	ssyncset.done $0x0  }
0x22: {  	[sflag:s3] =	ssyncadd.s32 $0xFFFFFE00  }
0x23: {  	[tilespmem:s7], [sflag:$0x1] =	stream.indirect.gather [hbm4b:s5+s6], $0x10, s2, s6, $0xb8;
	[tilespmem:$0x2200] =	vst v63  }
0x24: {  	_ =	swait.ge [sflag:s8], $0x800  }
0x25: {  	[sflag:s8] =	ssyncset.done $0x0  }
0x26: {  	[sflag:s8] =	ssyncadd.s32 $0xFFFFF800  }
0x27: {  	[tilespmem:s9], [sflag:$0x1] =	stream.indirect.gather [hbm4b:s5+s6], $0x10, s6, s6, $0xb8;
	[tilespmem:$0x2200] =	vst v63  }
0x28: {  	_ =	swait.ge [sflag:s8], $0x800  }
0x29: {  	[sflag:s8] =	ssyncset.done $0x0  }
0x2a: {  	[sflag:s8] =	ssyncadd.s32 $0xFFFFF800  }
0x2b: {  	[tilespmem:s11], [sflag:$0x1] =	stream.indirect.gather [hbm4b:s5+s6], $0x10, s10, s6, $0xb8;
	[tilespmem:$0x2200] =	vst v63  }
0x2c: {  	_ =	swait.ge [sflag:s8], $0x800  }
0x2d: {  	[sflag:s8] =	ssyncset.done $0x0  }
0x2e: {  	[sflag:s8] =	ssyncadd.s32 $0xFFFFF800  }
0x2f: {  	[tilespmem:s13], [sflag:$0x1] =	stream.indirect.gather [hbm4b:s5+s6], $0x10, s12, s6, $0xb8;
	[tilespmem:$0x2200] =	vst v63  }
0x30: {  	_ =	swait.ge [sflag:s8], $0x800  }
.Ltmp1:
0x31: {  	[sflag:s8] =	ssyncset.done $0x0;
	(pc) =	sbr.rel @p0 .LBB2_1-.Ltmp1, $4  }
0x32: {  	[sflag:s8] =	ssyncadd.s32 $0xFFFFF800  }
0x33: {  	[hbm4b:s14+s2] =	stream.linear.scatter [tilespmem:s7], [sflag:$0x2], $0x2000, $0x38;
	[tilespmem:$0x2200] =	vst v63  }
0x34: {  	_ =	swait.ge [sflag:s3], $0x2000  }
0x35: {  	[sflag:s3] =	ssyncset.done $0x0  }
.LBB2_2:
0x36: {  	[sflag:s3] =	ssyncadd.s32 $0xFFFFE000  }
0x37: {  	_ =	sfence.sel $0x180000  }
0x38: {  	[bflag:$0x0] =	sbarrier.arrive $0xFFFF  }
0x39: {  	p0 =	sne.s32 s0, $0x0;
	_ =	strace $0x90000047  }
0x3a: {  	s0 =	sadd.s32 @!p0 $0x100000, s1;
	[bflag:$0x2] =	sbarrier.arrive $0xFFFF  }
0x3b: {  	[sflag:s0] =	ssyncadd.tile.s32 @!p0 $0x1;
	_ =	shalt  }
.Lfunc_end2:
_tile_overlayer_lowered:
.L_overlay_start_2:
0x3c: {  	(tag) =	ssettag $0x2  }
0x3d: {  	s0 =	rddreg [dreg:$0x0];
	s2 =	stileid.u32  }
0x3e: {  	s1 =	rddreg [dreg:$0x1];
	p0 =	sne.s32 s2, $0x0  }
0x3f: {  	s3 =	rddreg [dreg:$0x2];
	[bflag:$0x3] =	sbarrier.arrive $0xFFFF;
	s2 =	simm.s32 @!p0 $0x1C02  }
0x40: {  	[timem:s3], [sflag:s2] =	dma.local @!p0 [hbm:s0], s1  }
0x41: {  	s0 =	simm.s32 @!p0 $0x2  }
0x42: {  	_ =	swait.ge @!p0 [sflag:s0], s1  }
0x43: {  	s1 =	ssub.s32 @!p0 $0x0, s1;
	[sflag:s0] =	ssyncset.done @!p0 $0x0  }
0x44: {  	[sflag:s0] =	ssyncadd.s32 @!p0 s1  }
0x45: {  	[bflag:$0x3] =	sbarrier.arrive $0xFFFF  }
0x46: {  	_ =	shalt  }

</sc_bundles>
